<compile_context>
chip_gen: v7x
topology: tpu7x:2x2x1
jax: 0.10.2.dev20260603
libtpu: 0.0.44.dev20260713+nightly
codegen_flags: <defaults>
</compile_context>

<pallas_src>
import functools

import jax
import jax.numpy as jnp
from jax import lax
from jax.experimental import pallas as pl
from jax.experimental.pallas import tpu as pltpu
from jax.experimental.pallas import tpu_sc as plsc

D_MODEL = 2048
D_KEY = 128
D_VAL = 128
N_SLOTS = 4096
N_TOK = 8192
N_WRITE = 256
WARMUP = 0.5
WRITE_STRENGTH = 0.8
SCALE = D_KEY ** -0.5



_LOG2E = 1.4426950408889634


def _proj_body(wx_ref, wk_ref, wv_ref, wq_ref, wo_ref, nk_ref, nv_ref, wqb_ref, wob_ref):
    x = wx_ref[...].astype(jnp.bfloat16)
    nk_ref[...] = jnp.dot(
        x, wk_ref[...].astype(jnp.bfloat16), preferred_element_type=jnp.float32
    )
    nv_ref[...] = WRITE_STRENGTH * jnp.dot(
        x, wv_ref[...].astype(jnp.bfloat16), preferred_element_type=jnp.float32
    )
    wqb_ref[...] = (wq_ref[...] * (SCALE * _LOG2E)).astype(jnp.bfloat16)
    wob_ref[...] = (wo_ref[...] * WARMUP).astype(jnp.bfloat16)


def _write_proj(write_x, Wk, Wv, Wq, Wo):
    return pl.pallas_call(
        _proj_body,
        out_shape=(
            jax.ShapeDtypeStruct((N_WRITE, D_KEY), jnp.float32),
            jax.ShapeDtypeStruct((N_WRITE, D_VAL), jnp.float32),
            jax.ShapeDtypeStruct((D_MODEL, D_KEY), jnp.bfloat16),
            jax.ShapeDtypeStruct((D_VAL, D_MODEL), jnp.bfloat16),
        ),
    )(write_x, Wk, Wv, Wq, Wo)



_NUM_CORES = 2
_NUM_SUBCORES = 16
_NW = _NUM_CORES * _NUM_SUBCORES
_SLOTS_PER_W = N_SLOTS // _NW

def _sc_scatter_body(
    ek_hbm, ev_hbm, nk_hbm, nv_hbm, idx_hbm, ok_hbm, ov_hbm,
    idx_v, win_s, kbuf, vbuf, semb, semi, semp,
):
    wid = lax.axis_index("s") * _NUM_CORES + lax.axis_index("c")
    base = wid * _SLOTS_PER_W
    blk = pl.ds(base, _SLOTS_PER_W)

    ck = pltpu.async_copy(ek_hbm.at[blk], kbuf, semb)
    cv = pltpu.async_copy(ev_hbm.at[blk], vbuf, semb)
    ci = pltpu.async_copy(idx_hbm, idx_v, semi)

    @pl.loop(0, _SLOTS_PER_W)
    def _(i):
        win_s[i] = -1

    ci.wait()

    lane = lax.iota(jnp.int32, 16)

    @pl.loop(0, N_WRITE // 16)
    def _(jc):
        local16 = idx_v[pl.ds(jc * 16, 16)] - base
        for e in range(16):
            s = jnp.sum(jnp.where(lane == e, local16, 0), axis=0)
            j = jc * 16 + e

            @pl.when((s >= 0) & (s < _SLOTS_PER_W))
            def _():
                win_s[s] = j

    ck.wait()
    cv.wait()

    def _patch(i, n):
        r = win_s[i]

        def _go():
            pltpu.async_copy(nk_hbm.at[pl.ds(r, 1)], kbuf.at[pl.ds(i, 1)], semp)
            pltpu.async_copy(nv_hbm.at[pl.ds(r, 1)], vbuf.at[pl.ds(i, 1)], semp)
            return n + 2

        return lax.cond(r >= 0, _go, lambda: n)

    npatch = lax.fori_loop(0, _SLOTS_PER_W, _patch, 0)

    @pl.loop(0, npatch)
    def _(j):
        pltpu.make_async_copy(nk_hbm.at[pl.ds(0, 1)], kbuf.at[pl.ds(0, 1)], semp).wait()

    co_k = pltpu.async_copy(kbuf, ok_hbm.at[blk], semb)
    co_v = pltpu.async_copy(vbuf, ov_hbm.at[blk], semb)
    co_k.wait()
    co_v.wait()


@functools.cache
def _sc_scatter_kernel():
    mesh = plsc.VectorSubcoreMesh(
        core_axis_name="c",
        subcore_axis_name="s",
        num_cores=_NUM_CORES,
        num_subcores=_NUM_SUBCORES,
    )
    return pl.kernel(
        _sc_scatter_body,
        out_type=(
            jax.ShapeDtypeStruct((N_SLOTS, D_KEY), jnp.float32),
            jax.ShapeDtypeStruct((N_SLOTS, D_VAL), jnp.float32),
        ),
        mesh=mesh,
        scratch_types=[
            pltpu.VMEM((N_WRITE,), jnp.int32),
            pltpu.SMEM((_SLOTS_PER_W,), jnp.int32),
            pltpu.VMEM((_SLOTS_PER_W, D_KEY), jnp.float32),
            pltpu.VMEM((_SLOTS_PER_W, D_VAL), jnp.float32),
            pltpu.SemaphoreType.DMA,
            pltpu.SemaphoreType.DMA,
            pltpu.SemaphoreType.DMA,
        ],
        compiler_params=pltpu.CompilerParams(needs_layout_passes=False),
    )



_TB = 1024


def _attn_body(x_ref, k_ref, v_ref, wq_ref, wo_ref, o_ref, kb_ref, veb_ref):
    i = pl.program_id(0)

    @pl.when(i == 0)
    def _():
        kb_ref[...] = k_ref[...].astype(jnp.bfloat16)
        veb_ref[:, :D_VAL] = v_ref[...].astype(jnp.bfloat16)
        col = lax.broadcasted_iota(jnp.int32, (N_SLOTS, D_VAL), 1)
        veb_ref[:, D_VAL:] = jnp.where(col == 0, 1.0, 0.0).astype(jnp.bfloat16)

    x = x_ref[...].astype(jnp.bfloat16)
    q = jnp.dot(x, wq_ref[...], preferred_element_type=jnp.float32).astype(jnp.bfloat16)
    s = lax.dot_general(
        q, kb_ref[...], (((1,), (1,)), ((), ())), preferred_element_type=jnp.float32
    )
    p = jnp.exp2(s).astype(jnp.bfloat16)
    re = jnp.dot(p, veb_ref[...], preferred_element_type=jnp.float32)
    r = re[:, :D_VAL]
    l = re[:, D_VAL : D_VAL + 1]
    r = (r * (1.0 / l)).astype(jnp.bfloat16)
    o_ref[...] = jnp.dot(r, wo_ref[...], preferred_element_type=jnp.float32)


def _attention(x, keys, vals, wq_bf, wo_bf):
    return pl.pallas_call(
        _attn_body,
        grid=(N_TOK // _TB,),
        in_specs=[
            pl.BlockSpec((_TB, D_MODEL), lambda i: (i, 0)),
            pl.BlockSpec((N_SLOTS, D_KEY), lambda i: (0, 0)),
            pl.BlockSpec((N_SLOTS, D_VAL), lambda i: (0, 0)),
            pl.BlockSpec((D_MODEL, D_KEY), lambda i: (0, 0)),
            pl.BlockSpec((D_VAL, D_MODEL), lambda i: (0, 0)),
        ],
        out_specs=pl.BlockSpec((_TB, D_MODEL), lambda i: (i, 0)),
        out_shape=jax.ShapeDtypeStruct((N_TOK, D_MODEL), jnp.float32),
        scratch_shapes=[
            pltpu.VMEM((N_SLOTS, D_KEY), jnp.bfloat16),
            pltpu.VMEM((N_SLOTS, 2 * D_VAL), jnp.bfloat16),
        ],
        compiler_params=pltpu.CompilerParams(
            dimension_semantics=("arbitrary",),
            vmem_limit_bytes=128 * 1024 * 1024,
        ),
    )(x, keys, vals, wq_bf, wo_bf)




def kernel(layer_input, write_x, write_idx, epi_keys, epi_vals, Wk, Wv, Wq, Wo):
    new_keys, new_vals, wq_bf, wo_bf = _write_proj(write_x, Wk, Wv, Wq, Wo)
    keys, vals = _sc_scatter_kernel()(epi_keys, epi_vals, new_keys, new_vals, write_idx)
    return _attention(layer_input, keys, vals, wq_bf, wo_bf)

# --- scband reference (transcript-rebuilt; emitter-appended) ---
"""Pipeline reference for scband-episodic-memory-module-60739427500296 (READ-ONLY COPY).

The authoritative reference and input builder live on the scoring server;
editing this copy changes nothing except your own understanding.
"""

import jax, jax.numpy as jnp
import numpy as np

D_MODEL = 2048
D_KEY = 128
D_VAL = 128
N_SLOTS = 4096
N_TOK = 8192
N_WRITE = 256
WARMUP = 0.5
WRITE_STRENGTH = 0.8


def setup_inputs(seed: int = 0) -> dict:
    key = jax.random.key(seed)
    ks = jax.random.split(key, 9)
    return {
        "layer_input": jax.random.normal(ks[0], (N_TOK, D_MODEL), dtype=jnp.float32),
        "write_x": jax.random.normal(ks[1], (N_WRITE, D_MODEL), dtype=jnp.float32),
        "write_idx": jax.random.randint(ks[2], (N_WRITE,), 0, N_SLOTS, dtype=jnp.int32),
        "epi_keys": jax.random.normal(ks[3], (N_SLOTS, D_KEY), dtype=jnp.float32),
        "epi_vals": jax.random.normal(ks[4], (N_SLOTS, D_VAL), dtype=jnp.float32),
        "Wk": jax.random.normal(ks[5], (D_MODEL, D_KEY), dtype=jnp.float32) * (D_MODEL ** -0.5),
        "Wv": jax.random.normal(ks[6], (D_MODEL, D_VAL), dtype=jnp.float32) * (D_MODEL ** -0.5),
        "Wq": jax.random.normal(ks[7], (D_MODEL, D_KEY), dtype=jnp.float32) * (D_MODEL ** -0.5),
        "Wo": jax.random.normal(ks[8], (D_VAL, D_MODEL), dtype=jnp.float32) * (D_VAL ** -0.5),
    }


def reference(layer_input, write_x, write_idx, epi_keys, epi_vals, Wk, Wv, Wq, Wo):
    # --- write phase: surprise-gated commits into circular buffer (detached) ---
    # key_proj / val_proj outputs are stored detached: autobiography is a record,
    # not a differentiable path.
    new_keys = jax.lax.stop_gradient(write_x @ Wk)
    new_vals = jax.lax.stop_gradient((write_x @ Wv) * WRITE_STRENGTH)
    keys = epi_keys.at[write_idx].set(new_keys)
    vals = epi_vals.at[write_idx].set(new_vals)
    # state tensors, not parameters: no gradient flows into the buffer
    keys = jax.lax.stop_gradient(keys)
    vals = jax.lax.stop_gradient(vals)
    # --- read phase: soft attention over filled slots ---
    q = layer_input @ Wq
    scores = (q @ keys.T) * (D_KEY ** -0.5)
    weights = jax.nn.softmax(scores, axis=-1)
    retrieved = weights @ vals
    return WARMUP * (retrieved @ Wo)

if __name__ == "__main__":
    import jax
    _d = setup_inputs()
    print(jax.jit(kernel)(*tuple(_d.values())))

</pallas_src>

<mosaic_0001>
#map = affine_map<(d0, d1) -> (0, 0)>
#map1 = affine_map<(d0, d1) -> (0)>
module attributes {stable_mosaic.version = 14 : i64} {
  func.func @_sc_scatter_body(%arg0: i32, %arg1: i32, %arg2: memref<4096x128xf32, #tpu.memory_space<hbm>>, %arg3: memref<4096x128xf32, #tpu.memory_space<hbm>>, %arg4: memref<256x128xf32, #tpu.memory_space<hbm>>, %arg5: memref<256x128xf32, #tpu.memory_space<hbm>>, %arg6: memref<256xi32, #tpu.memory_space<hbm>>, %arg7: memref<4096x128xf32, #tpu.memory_space<hbm>>, %arg8: memref<4096x128xf32, #tpu.memory_space<hbm>>, %arg9: memref<256xi32, #tpu.memory_space<vmem>>, %arg10: memref<128xi32, #tpu.memory_space<smem>>, %arg11: memref<128x128xf32, #tpu.memory_space<vmem>>, %arg12: memref<128x128xf32, #tpu.memory_space<vmem>>, %arg13: memref<!tpu.dma_semaphore, #tpu.memory_space<semaphore_mem>>, %arg14: memref<!tpu.dma_semaphore, #tpu.memory_space<semaphore_mem>>, %arg15: memref<!tpu.dma_semaphore, #tpu.memory_space<semaphore_mem>>) attributes {dimension_semantics = [#tpu.dimension_semantics<core_parallel>, #tpu.dimension_semantics<subcore_parallel>], iteration_bounds = array<i64: 2, 16>, scalar_prefetch = 0 : i64, scratch_operands = 7 : i64, tpu.core_type = #tpu.core_type<sc_vector_subcore>, window_params = [{transform_indices = #map}, {transform_indices = #map}, {transform_indices = #map}, {transform_indices = #map}, {transform_indices = #map1}, {transform_indices = #map}, {transform_indices = #map}]} {
    %mul3A = arith.constant 2 : i32
    %mul3A_0 = arith.muli %arg1, %mul3A : i32
    %add3A = arith.addi %mul3A_0, %arg0 : i32
    %mul3A_1 = arith.constant 128 : i32
    %mul3A_2 = arith.muli %add3A, %mul3A_1 : i32
    %dma_start3A = arith.constant 0 : i32
    %dma_start3A_3 = tpu.memref_slice %arg2[%mul3A_2, %dma_start3A] : memref<4096x128xf32, #tpu.memory_space<hbm>> -> memref<128x128xf32, #tpu.memory_space<hbm>>
    %dma_start3A_4 = arith.constant 0 : i32
    %dma_start3A_5 = tpu.memref_slice %arg2[%mul3A_2, %dma_start3A_4] : memref<4096x128xf32, #tpu.memory_space<hbm>> -> memref<128x128xf32, #tpu.memory_space<hbm>>
    tpu.enqueue_dma source(%dma_start3A_5 : memref<128x128xf32, #tpu.memory_space<hbm>>) target(%arg11 : memref<128x128xf32, #tpu.memory_space<vmem>>) target_semaphore(%arg13 : memref<!tpu.dma_semaphore, #tpu.memory_space<semaphore_mem>>)
    %dma_start3A_6 = arith.constant 0 : i32
    %dma_start3A_7 = tpu.memref_slice %arg3[%mul3A_2, %dma_start3A_6] : memref<4096x128xf32, #tpu.memory_space<hbm>> -> memref<128x128xf32, #tpu.memory_space<hbm>>
    %dma_start3A_8 = arith.constant 0 : i32
    %dma_start3A_9 = tpu.memref_slice %arg3[%mul3A_2, %dma_start3A_8] : memref<4096x128xf32, #tpu.memory_space<hbm>> -> memref<128x128xf32, #tpu.memory_space<hbm>>
    tpu.enqueue_dma source(%dma_start3A_9 : memref<128x128xf32, #tpu.memory_space<hbm>>) target(%arg12 : memref<128x128xf32, #tpu.memory_space<vmem>>) target_semaphore(%arg13 : memref<!tpu.dma_semaphore, #tpu.memory_space<semaphore_mem>>)
    tpu.enqueue_dma source(%arg6 : memref<256xi32, #tpu.memory_space<hbm>>) target(%arg9 : memref<256xi32, #tpu.memory_space<vmem>>) target_semaphore(%arg14 : memref<!tpu.dma_semaphore, #tpu.memory_space<semaphore_mem>>)
    %scan3A = arith.constant 0 : i32
    %scan3A_10 = arith.constant 128 : i32
    %scan3A_11 = arith.addi %scan3A, %scan3A_10 : i32
    %scan3A_12 = arith.constant 1 : i32
    scf.for %scan3A_65 = %scan3A to %scan3A_11 step %scan3A_12  : i32 {
      %mul3A_66 = arith.constant 1 : i32
      %mul3A_67 = arith.muli %scan3A_65, %mul3A_66 : i32
      %add3A_68 = arith.constant 0 : i32
      %add3A_69 = arith.addi %add3A_68, %mul3A_67 : i32
      %swap3A = arith.constant -1 : i32
      %swap3A_70 = arith.index_cast %add3A_69 : i32 to index
      %swap3A_71 = memref.load %arg10[%swap3A_70] : memref<128xi32, #tpu.memory_space<smem>>
      memref.store %swap3A, %arg10[%swap3A_70] : memref<128xi32, #tpu.memory_space<smem>>
    }
    %scan3A_13 = arith.constant 128 : i32
    tpu.wait_dma2 semaphore(%arg14 : memref<!tpu.dma_semaphore, #tpu.memory_space<semaphore_mem>>) src(%arg6 : memref<256xi32, #tpu.memory_space<hbm>>) dst(%arg9 : memref<256xi32, #tpu.memory_space<vmem>>)
    %iota3A = tpu.iota {dimensions = array<i32: 0>} : vector<16xi32>
    %scan3A_14 = arith.constant 0 : i32
    %scan3A_15 = arith.constant 16 : i32
    %scan3A_16 = arith.addi %scan3A_14, %scan3A_15 : i32
    %scan3A_17 = arith.constant 1 : i32
    scf.for %scan3A_65 = %scan3A_14 to %scan3A_16 step %scan3A_17  : i32 {
      %mul3A_66 = arith.constant 1 : i32
      %mul3A_67 = arith.muli %scan3A_65, %mul3A_66 : i32
      %add3A_68 = arith.constant 0 : i32
      %add3A_69 = arith.addi %add3A_68, %mul3A_67 : i32
      %mul3A_70 = arith.constant 16 : i32
      %mul3A_71 = arith.muli %add3A_69, %mul3A_70 : i32
      %get3A = arith.index_cast %mul3A_71 : i32 to index
      %get3A_72 = tpu.vector_load %arg9[%get3A] {strides = array<i32>} : memref<256xi32, #tpu.memory_space<vmem>>, vector<16xi32>,
      %sub3A_73 = vector.broadcast %mul3A_2 : i32 to vector<16xi32>
      %sub3A_74 = arith.subi %get3A_72, %sub3A_73 : vector<16xi32>
      %eq3A = arith.constant 0 : i32
      %eq3A_75 = vector.broadcast %eq3A : i32 to vector<16xi32>
      %eq3A_76 = arith.cmpi eq, %iota3A, %eq3A_75 : vector<16xi32>
      %jit3A = arith.constant 0 : i32
      %broadcast_in_dim3A = vector.broadcast %jit3A : i32 to vector<16xi32>
      %select_n3A = arith.select %eq3A_76, %sub3A_74, %broadcast_in_dim3A : vector<16xi1>, vector<16xi32>
      %reduce_sum3A = arith.constant true
      %reduce_sum3A_77 = vector.broadcast %reduce_sum3A : i1 to vector<16xi1>
      %reduce_sum3A_78 = tpu.scan <sum>, %select_n3A masked %reduce_sum3A_77 : vector<16xi32>, vector<16xi1> -> vector<16xi32>
      %reduce_sum3A_79 = vector.extract %reduce_sum3A_78[15] : i32 from vector<16xi32>
      %mul3A_80 = arith.constant 16 : i32
      %mul3A_81 = arith.muli %add3A_69, %mul3A_80 : i32
      %add3A_82 = arith.constant 0 : i32
      %add3A_83 = arith.addi %mul3A_81, %add3A_82 : i32
      %ge3A = arith.constant 0 : i32
      %ge3A_84 = arith.cmpi sge, %reduce_sum3A_79, %ge3A : i32
      %lt3A = arith.constant 128 : i32
      %lt3A_85 = arith.cmpi slt, %reduce_sum3A_79, %lt3A : i32
      %and3A = arith.andi %ge3A_84, %lt3A_85 : i1
      %convert_element_type3A = arith.extui %and3A : i1 to i32
      %cond3A = arith.constant 0 : i32
      %cond3A_86 = arith.cmpi ne, %convert_element_type3A, %cond3A : i32
      scf.if %cond3A_86 {
        %swap3A = arith.index_cast %reduce_sum3A_79 : i32 to index
        %swap3A_417 = memref.load %arg10[%swap3A] : memref<128xi32, #tpu.memory_space<smem>>
        memref.store %add3A_83, %arg10[%swap3A] : memref<128xi32, #tpu.memory_space<smem>>
      } else {
      }
      %eq3A_87 = arith.constant 1 : i32
      %eq3A_88 = vector.broadcast %eq3A_87 : i32 to vector<16xi32>
      %eq3A_89 = arith.cmpi eq, %iota3A, %eq3A_88 : vector<16xi32>
      %jit3A_90 = arith.constant 0 : i32
      %broadcast_in_dim3A_91 = vector.broadcast %jit3A_90 : i32 to vector<16xi32>
      %select_n3A_92 = arith.select %eq3A_89, %sub3A_74, %broadcast_in_dim3A_91 : vector<16xi1>, vector<16xi32>
      %reduce_sum3A_93 = arith.constant true
      %reduce_sum3A_94 = vector.broadcast %reduce_sum3A_93 : i1 to vector<16xi1>
      %reduce_sum3A_95 = tpu.scan <sum>, %select_n3A_92 masked %reduce_sum3A_94 : vector<16xi32>, vector<16xi1> -> vector<16xi32>
      %reduce_sum3A_96 = vector.extract %reduce_sum3A_95[15] : i32 from vector<16xi32>
      %mul3A_97 = arith.constant 16 : i32
      %mul3A_98 = arith.muli %add3A_69, %mul3A_97 : i32
      %add3A_99 = arith.constant 1 : i32
      %add3A_100 = arith.addi %mul3A_98, %add3A_99 : i32
      %ge3A_101 = arith.constant 0 : i32
      %ge3A_102 = arith.cmpi sge, %reduce_sum3A_96, %ge3A_101 : i32
      %lt3A_103 = arith.constant 128 : i32
      %lt3A_104 = arith.cmpi slt, %reduce_sum3A_96, %lt3A_103 : i32
      %and3A_105 = arith.andi %ge3A_102, %lt3A_104 : i1
      %convert_element_type3A_106 = arith.extui %and3A_105 : i1 to i32
      %cond3A_107 = arith.constant 0 : i32
      %cond3A_108 = arith.cmpi ne, %convert_element_type3A_106, %cond3A_107 : i32
      scf.if %cond3A_108 {
        %swap3A = arith.index_cast %reduce_sum3A_96 : i32 to index
        %swap3A_417 = memref.load %arg10[%swap3A] : memref<128xi32, #tpu.memory_space<smem>>
        memref.store %add3A_100, %arg10[%swap3A] : memref<128xi32, #tpu.memory_space<smem>>
      } else {
      }
      %eq3A_109 = arith.constant 2 : i32
      %eq3A_110 = vector.broadcast %eq3A_109 : i32 to vector<16xi32>
      %eq3A_111 = arith.cmpi eq, %iota3A, %eq3A_110 : vector<16xi32>
      %jit3A_112 = arith.constant 0 : i32
      %broadcast_in_dim3A_113 = vector.broadcast %jit3A_112 : i32 to vector<16xi32>
      %select_n3A_114 = arith.select %eq3A_111, %sub3A_74, %broadcast_in_dim3A_113 : vector<16xi1>, vector<16xi32>
      %reduce_sum3A_115 = arith.constant true
      %reduce_sum3A_116 = vector.broadcast %reduce_sum3A_115 : i1 to vector<16xi1>
      %reduce_sum3A_117 = tpu.scan <sum>, %select_n3A_114 masked %reduce_sum3A_116 : vector<16xi32>, vector<16xi1> -> vector<16xi32>
      %reduce_sum3A_118 = vector.extract %reduce_sum3A_117[15] : i32 from vector<16xi32>
      %mul3A_119 = arith.constant 16 : i32
      %mul3A_120 = arith.muli %add3A_69, %mul3A_119 : i32
      %add3A_121 = arith.constant 2 : i32
      %add3A_122 = arith.addi %mul3A_120, %add3A_121 : i32
      %ge3A_123 = arith.constant 0 : i32
      %ge3A_124 = arith.cmpi sge, %reduce_sum3A_118, %ge3A_123 : i32
      %lt3A_125 = arith.constant 128 : i32
      %lt3A_126 = arith.cmpi slt, %reduce_sum3A_118, %lt3A_125 : i32
      %and3A_127 = arith.andi %ge3A_124, %lt3A_126 : i1
      %convert_element_type3A_128 = arith.extui %and3A_127 : i1 to i32
      %cond3A_129 = arith.constant 0 : i32
      %cond3A_130 = arith.cmpi ne, %convert_element_type3A_128, %cond3A_129 : i32
      scf.if %cond3A_130 {
        %swap3A = arith.index_cast %reduce_sum3A_118 : i32 to index
        %swap3A_417 = memref.load %arg10[%swap3A] : memref<128xi32, #tpu.memory_space<smem>>
        memref.store %add3A_122, %arg10[%swap3A] : memref<128xi32, #tpu.memory_space<smem>>
      } else {
      }
      %eq3A_131 = arith.constant 3 : i32
      %eq3A_132 = vector.broadcast %eq3A_131 : i32 to vector<16xi32>
      %eq3A_133 = arith.cmpi eq, %iota3A, %eq3A_132 : vector<16xi32>
      %jit3A_134 = arith.constant 0 : i32
      %broadcast_in_dim3A_135 = vector.broadcast %jit3A_134 : i32 to vector<16xi32>
      %select_n3A_136 = arith.select %eq3A_133, %sub3A_74, %broadcast_in_dim3A_135 : vector<16xi1>, vector<16xi32>
      %reduce_sum3A_137 = arith.constant true
      %reduce_sum3A_138 = vector.broadcast %reduce_sum3A_137 : i1 to vector<16xi1>
      %reduce_sum3A_139 = tpu.scan <sum>, %select_n3A_136 masked %reduce_sum3A_138 : vector<16xi32>, vector<16xi1> -> vector<16xi32>
      %reduce_sum3A_140 = vector.extract %reduce_sum3A_139[15] : i32 from vector<16xi32>
      %mul3A_141 = arith.constant 16 : i32
      %mul3A_142 = arith.muli %add3A_69, %mul3A_141 : i32
      %add3A_143 = arith.constant 3 : i32
      %add3A_144 = arith.addi %mul3A_142, %add3A_143 : i32
      %ge3A_145 = arith.constant 0 : i32
      %ge3A_146 = arith.cmpi sge, %reduce_sum3A_140, %ge3A_145 : i32
      %lt3A_147 = arith.constant 128 : i32
      %lt3A_148 = arith.cmpi slt, %reduce_sum3A_140, %lt3A_147 : i32
      %and3A_149 = arith.andi %ge3A_146, %lt3A_148 : i1
      %convert_element_type3A_150 = arith.extui %and3A_149 : i1 to i32
      %cond3A_151 = arith.constant 0 : i32
      %cond3A_152 = arith.cmpi ne, %convert_element_type3A_150, %cond3A_151 : i32
      scf.if %cond3A_152 {
        %swap3A = arith.index_cast %reduce_sum3A_140 : i32 to index
        %swap3A_417 = memref.load %arg10[%swap3A] : memref<128xi32, #tpu.memory_space<smem>>
        memref.store %add3A_144, %arg10[%swap3A] : memref<128xi32, #tpu.memory_space<smem>>
      } else {
      }
      %eq3A_153 = arith.constant 4 : i32
      %eq3A_154 = vector.broadcast %eq3A_153 : i32 to vector<16xi32>
      %eq3A_155 = arith.cmpi eq, %iota3A, %eq3A_154 : vector<16xi32>
      %jit3A_156 = arith.constant 0 : i32
      %broadcast_in_dim3A_157 = vector.broadcast %jit3A_156 : i32 to vector<16xi32>
      %select_n3A_158 = arith.select %eq3A_155, %sub3A_74, %broadcast_in_dim3A_157 : vector<16xi1>, vector<16xi32>
      %reduce_sum3A_159 = arith.constant true
      %reduce_sum3A_160 = vector.broadcast %reduce_sum3A_159 : i1 to vector<16xi1>
      %reduce_sum3A_161 = tpu.scan <sum>, %select_n3A_158 masked %reduce_sum3A_160 : vector<16xi32>, vector<16xi1> -> vector<16xi32>
      %reduce_sum3A_162 = vector.extract %reduce_sum3A_161[15] : i32 from vector<16xi32>
      %mul3A_163 = arith.constant 16 : i32
      %mul3A_164 = arith.muli %add3A_69, %mul3A_163 : i32
      %add3A_165 = arith.constant 4 : i32
      %add3A_166 = arith.addi %mul3A_164, %add3A_165 : i32
      %ge3A_167 = arith.constant 0 : i32
      %ge3A_168 = arith.cmpi sge, %reduce_sum3A_162, %ge3A_167 : i32
      %lt3A_169 = arith.constant 128 : i32
      %lt3A_170 = arith.cmpi slt, %reduce_sum3A_162, %lt3A_169 : i32
      %and3A_171 = arith.andi %ge3A_168, %lt3A_170 : i1
      %convert_element_type3A_172 = arith.extui %and3A_171 : i1 to i32
      %cond3A_173 = arith.constant 0 : i32
      %cond3A_174 = arith.cmpi ne, %convert_element_type3A_172, %cond3A_173 : i32
      scf.if %cond3A_174 {
        %swap3A = arith.index_cast %reduce_sum3A_162 : i32 to index
        %swap3A_417 = memref.load %arg10[%swap3A] : memref<128xi32, #tpu.memory_space<smem>>
        memref.store %add3A_166, %arg10[%swap3A] : memref<128xi32, #tpu.memory_space<smem>>
      } else {
      }
      %eq3A_175 = arith.constant 5 : i32
      %eq3A_176 = vector.broadcast %eq3A_175 : i32 to vector<16xi32>
      %eq3A_177 = arith.cmpi eq, %iota3A, %eq3A_176 : vector<16xi32>
      %jit3A_178 = arith.constant 0 : i32
      %broadcast_in_dim3A_179 = vector.broadcast %jit3A_178 : i32 to vector<16xi32>
      %select_n3A_180 = arith.select %eq3A_177, %sub3A_74, %broadcast_in_dim3A_179 : vector<16xi1>, vector<16xi32>
      %reduce_sum3A_181 = arith.constant true
      %reduce_sum3A_182 = vector.broadcast %reduce_sum3A_181 : i1 to vector<16xi1>
      %reduce_sum3A_183 = tpu.scan <sum>, %select_n3A_180 masked %reduce_sum3A_182 : vector<16xi32>, vector<16xi1> -> vector<16xi32>
      %reduce_sum3A_184 = vector.extract %reduce_sum3A_183[15] : i32 from vector<16xi32>
      %mul3A_185 = arith.constant 16 : i32
      %mul3A_186 = arith.muli %add3A_69, %mul3A_185 : i32
      %add3A_187 = arith.constant 5 : i32
      %add3A_188 = arith.addi %mul3A_186, %add3A_187 : i32
      %ge3A_189 = arith.constant 0 : i32
      %ge3A_190 = arith.cmpi sge, %reduce_sum3A_184, %ge3A_189 : i32
      %lt3A_191 = arith.constant 128 : i32
      %lt3A_192 = arith.cmpi slt, %reduce_sum3A_184, %lt3A_191 : i32
      %and3A_193 = arith.andi %ge3A_190, %lt3A_192 : i1
      %convert_element_type3A_194 = arith.extui %and3A_193 : i1 to i32
      %cond3A_195 = arith.constant 0 : i32
      %cond3A_196 = arith.cmpi ne, %convert_element_type3A_194, %cond3A_195 : i32
      scf.if %cond3A_196 {
        %swap3A = arith.index_cast %reduce_sum3A_184 : i32 to index
        %swap3A_417 = memref.load %arg10[%swap3A] : memref<128xi32, #tpu.memory_space<smem>>
        memref.store %add3A_188, %arg10[%swap3A] : memref<128xi32, #tpu.memory_space<smem>>
      } else {
      }
      %eq3A_197 = arith.constant 6 : i32
      %eq3A_198 = vector.broadcast %eq3A_197 : i32 to vector<16xi32>
      %eq3A_199 = arith.cmpi eq, %iota3A, %eq3A_198 : vector<16xi32>
      %jit3A_200 = arith.constant 0 : i32
      %broadcast_in_dim3A_201 = vector.broadcast %jit3A_200 : i32 to vector<16xi32>
      %select_n3A_202 = arith.select %eq3A_199, %sub3A_74, %broadcast_in_dim3A_201 : vector<16xi1>, vector<16xi32>
      %reduce_sum3A_203 = arith.constant true
      %reduce_sum3A_204 = vector.broadcast %reduce_sum3A_203 : i1 to vector<16xi1>
      %reduce_sum3A_205 = tpu.scan <sum>, %select_n3A_202 masked %reduce_sum3A_204 : vector<16xi32>, vector<16xi1> -> vector<16xi32>
      %reduce_sum3A_206 = vector.extract %reduce_sum3A_205[15] : i32 from vector<16xi32>
      %mul3A_207 = arith.constant 16 : i32
      %mul3A_208 = arith.muli %add3A_69, %mul3A_207 : i32
      %add3A_209 = arith.constant 6 : i32
      %add3A_210 = arith.addi %mul3A_208, %add3A_209 : i32
      %ge3A_211 = arith.constant 0 : i32
      %ge3A_212 = arith.cmpi sge, %reduce_sum3A_206, %ge3A_211 : i32
      %lt3A_213 = arith.constant 128 : i32
      %lt3A_214 = arith.cmpi slt, %reduce_sum3A_206, %lt3A_213 : i32
      %and3A_215 = arith.andi %ge3A_212, %lt3A_214 : i1
      %convert_element_type3A_216 = arith.extui %and3A_215 : i1 to i32
      %cond3A_217 = arith.constant 0 : i32
      %cond3A_218 = arith.cmpi ne, %convert_element_type3A_216, %cond3A_217 : i32
      scf.if %cond3A_218 {
        %swap3A = arith.index_cast %reduce_sum3A_206 : i32 to index
        %swap3A_417 = memref.load %arg10[%swap3A] : memref<128xi32, #tpu.memory_space<smem>>
        memref.store %add3A_210, %arg10[%swap3A] : memref<128xi32, #tpu.memory_space<smem>>
      } else {
      }
      %eq3A_219 = arith.constant 7 : i32
      %eq3A_220 = vector.broadcast %eq3A_219 : i32 to vector<16xi32>
      %eq3A_221 = arith.cmpi eq, %iota3A, %eq3A_220 : vector<16xi32>
      %jit3A_222 = arith.constant 0 : i32
      %broadcast_in_dim3A_223 = vector.broadcast %jit3A_222 : i32 to vector<16xi32>
      %select_n3A_224 = arith.select %eq3A_221, %sub3A_74, %broadcast_in_dim3A_223 : vector<16xi1>, vector<16xi32>
      %reduce_sum3A_225 = arith.constant true
      %reduce_sum3A_226 = vector.broadcast %reduce_sum3A_225 : i1 to vector<16xi1>
      %reduce_sum3A_227 = tpu.scan <sum>, %select_n3A_224 masked %reduce_sum3A_226 : vector<16xi32>, vector<16xi1> -> vector<16xi32>
      %reduce_sum3A_228 = vector.extract %reduce_sum3A_227[15] : i32 from vector<16xi32>
      %mul3A_229 = arith.constant 16 : i32
      %mul3A_230 = arith.muli %add3A_69, %mul3A_229 : i32
      %add3A_231 = arith.constant 7 : i32
      %add3A_232 = arith.addi %mul3A_230, %add3A_231 : i32
      %ge3A_233 = arith.constant 0 : i32
      %ge3A_234 = arith.cmpi sge, %reduce_sum3A_228, %ge3A_233 : i32
      %lt3A_235 = arith.constant 128 : i32
      %lt3A_236 = arith.cmpi slt, %reduce_sum3A_228, %lt3A_235 : i32
      %and3A_237 = arith.andi %ge3A_234, %lt3A_236 : i1
      %convert_element_type3A_238 = arith.extui %and3A_237 : i1 to i32
      %cond3A_239 = arith.constant 0 : i32
      %cond3A_240 = arith.cmpi ne, %convert_element_type3A_238, %cond3A_239 : i32
      scf.if %cond3A_240 {
        %swap3A = arith.index_cast %reduce_sum3A_228 : i32 to index
        %swap3A_417 = memref.load %arg10[%swap3A] : memref<128xi32, #tpu.memory_space<smem>>
        memref.store %add3A_232, %arg10[%swap3A] : memref<128xi32, #tpu.memory_space<smem>>
      } else {
      }
      %eq3A_241 = arith.constant 8 : i32
      %eq3A_242 = vector.broadcast %eq3A_241 : i32 to vector<16xi32>
      %eq3A_243 = arith.cmpi eq, %iota3A, %eq3A_242 : vector<16xi32>
      %jit3A_244 = arith.constant 0 : i32
      %broadcast_in_dim3A_245 = vector.broadcast %jit3A_244 : i32 to vector<16xi32>
      %select_n3A_246 = arith.select %eq3A_243, %sub3A_74, %broadcast_in_dim3A_245 : vector<16xi1>, vector<16xi32>
      %reduce_sum3A_247 = arith.constant true
      %reduce_sum3A_248 = vector.broadcast %reduce_sum3A_247 : i1 to vector<16xi1>
      %reduce_sum3A_249 = tpu.scan <sum>, %select_n3A_246 masked %reduce_sum3A_248 : vector<16xi32>, vector<16xi1> -> vector<16xi32>
      %reduce_sum3A_250 = vector.extract %reduce_sum3A_249[15] : i32 from vector<16xi32>
      %mul3A_251 = arith.constant 16 : i32
      %mul3A_252 = arith.muli %add3A_69, %mul3A_251 : i32
      %add3A_253 = arith.constant 8 : i32
      %add3A_254 = arith.addi %mul3A_252, %add3A_253 : i32
      %ge3A_255 = arith.constant 0 : i32
      %ge3A_256 = arith.cmpi sge, %reduce_sum3A_250, %ge3A_255 : i32
      %lt3A_257 = arith.constant 128 : i32
      %lt3A_258 = arith.cmpi slt, %reduce_sum3A_250, %lt3A_257 : i32
      %and3A_259 = arith.andi %ge3A_256, %lt3A_258 : i1
      %convert_element_type3A_260 = arith.extui %and3A_259 : i1 to i32
      %cond3A_261 = arith.constant 0 : i32
      %cond3A_262 = arith.cmpi ne, %convert_element_type3A_260, %cond3A_261 : i32
      scf.if %cond3A_262 {
        %swap3A = arith.index_cast %reduce_sum3A_250 : i32 to index
        %swap3A_417 = memref.load %arg10[%swap3A] : memref<128xi32, #tpu.memory_space<smem>>
        memref.store %add3A_254, %arg10[%swap3A] : memref<128xi32, #tpu.memory_space<smem>>
      } else {
      }
      %eq3A_263 = arith.constant 9 : i32
      %eq3A_264 = vector.broadcast %eq3A_263 : i32 to vector<16xi32>
      %eq3A_265 = arith.cmpi eq, %iota3A, %eq3A_264 : vector<16xi32>
      %jit3A_266 = arith.constant 0 : i32
      %broadcast_in_dim3A_267 = vector.broadcast %jit3A_266 : i32 to vector<16xi32>
      %select_n3A_268 = arith.select %eq3A_265, %sub3A_74, %broadcast_in_dim3A_267 : vector<16xi1>, vector<16xi32>
      %reduce_sum3A_269 = arith.constant true
      %reduce_sum3A_270 = vector.broadcast %reduce_sum3A_269 : i1 to vector<16xi1>
      %reduce_sum3A_271 = tpu.scan <sum>, %select_n3A_268 masked %reduce_sum3A_270 : vector<16xi32>, vector<16xi1> -> vector<16xi32>
      %reduce_sum3A_272 = vector.extract %reduce_sum3A_271[15] : i32 from vector<16xi32>
      %mul3A_273 = arith.constant 16 : i32
      %mul3A_274 = arith.muli %add3A_69, %mul3A_273 : i32
      %add3A_275 = arith.constant 9 : i32
      %add3A_276 = arith.addi %mul3A_274, %add3A_275 : i32
      %ge3A_277 = arith.constant 0 : i32
      %ge3A_278 = arith.cmpi sge, %reduce_sum3A_272, %ge3A_277 : i32
      %lt3A_279 = arith.constant 128 : i32
      %lt3A_280 = arith.cmpi slt, %reduce_sum3A_272, %lt3A_279 : i32
      %and3A_281 = arith.andi %ge3A_278, %lt3A_280 : i1
      %convert_element_type3A_282 = arith.extui %and3A_281 : i1 to i32
      %cond3A_283 = arith.constant 0 : i32
      %cond3A_284 = arith.cmpi ne, %convert_element_type3A_282, %cond3A_283 : i32
      scf.if %cond3A_284 {
        %swap3A = arith.index_cast %reduce_sum3A_272 : i32 to index
        %swap3A_417 = memref.load %arg10[%swap3A] : memref<128xi32, #tpu.memory_space<smem>>
        memref.store %add3A_276, %arg10[%swap3A] : memref<128xi32, #tpu.memory_space<smem>>
      } else {
      }
      %eq3A_285 = arith.constant 10 : i32
      %eq3A_286 = vector.broadcast %eq3A_285 : i32 to vector<16xi32>
      %eq3A_287 = arith.cmpi eq, %iota3A, %eq3A_286 : vector<16xi32>
      %jit3A_288 = arith.constant 0 : i32
      %broadcast_in_dim3A_289 = vector.broadcast %jit3A_288 : i32 to vector<16xi32>
      %select_n3A_290 = arith.select %eq3A_287, %sub3A_74, %broadcast_in_dim3A_289 : vector<16xi1>, vector<16xi32>
      %reduce_sum3A_291 = arith.constant true
      %reduce_sum3A_292 = vector.broadcast %reduce_sum3A_291 : i1 to vector<16xi1>
      %reduce_sum3A_293 = tpu.scan <sum>, %select_n3A_290 masked %reduce_sum3A_292 : vector<16xi32>, vector<16xi1> -> vector<16xi32>
      %reduce_sum3A_294 = vector.extract %reduce_sum3A_293[15] : i32 from vector<16xi32>
      %mul3A_295 = arith.constant 16 : i32
      %mul3A_296 = arith.muli %add3A_69, %mul3A_295 : i32
      %add3A_297 = arith.constant 10 : i32
      %add3A_298 = arith.addi %mul3A_296, %add3A_297 : i32
      %ge3A_299 = arith.constant 0 : i32
      %ge3A_300 = arith.cmpi sge, %reduce_sum3A_294, %ge3A_299 : i32
      %lt3A_301 = arith.constant 128 : i32
      %lt3A_302 = arith.cmpi slt, %reduce_sum3A_294, %lt3A_301 : i32
      %and3A_303 = arith.andi %ge3A_300, %lt3A_302 : i1
      %convert_element_type3A_304 = arith.extui %and3A_303 : i1 to i32
      %cond3A_305 = arith.constant 0 : i32
      %cond3A_306 = arith.cmpi ne, %convert_element_type3A_304, %cond3A_305 : i32
      scf.if %cond3A_306 {
        %swap3A = arith.index_cast %reduce_sum3A_294 : i32 to index
        %swap3A_417 = memref.load %arg10[%swap3A] : memref<128xi32, #tpu.memory_space<smem>>
        memref.store %add3A_298, %arg10[%swap3A] : memref<128xi32, #tpu.memory_space<smem>>
      } else {
      }
      %eq3A_307 = arith.constant 11 : i32
      %eq3A_308 = vector.broadcast %eq3A_307 : i32 to vector<16xi32>
      %eq3A_309 = arith.cmpi eq, %iota3A, %eq3A_308 : vector<16xi32>
      %jit3A_310 = arith.constant 0 : i32
      %broadcast_in_dim3A_311 = vector.broadcast %jit3A_310 : i32 to vector<16xi32>
      %select_n3A_312 = arith.select %eq3A_309, %sub3A_74, %broadcast_in_dim3A_311 : vector<16xi1>, vector<16xi32>
      %reduce_sum3A_313 = arith.constant true
      %reduce_sum3A_314 = vector.broadcast %reduce_sum3A_313 : i1 to vector<16xi1>
      %reduce_sum3A_315 = tpu.scan <sum>, %select_n3A_312 masked %reduce_sum3A_314 : vector<16xi32>, vector<16xi1> -> vector<16xi32>
      %reduce_sum3A_316 = vector.extract %reduce_sum3A_315[15] : i32 from vector<16xi32>
      %mul3A_317 = arith.constant 16 : i32
      %mul3A_318 = arith.muli %add3A_69, %mul3A_317 : i32
      %add3A_319 = arith.constant 11 : i32
      %add3A_320 = arith.addi %mul3A_318, %add3A_319 : i32
      %ge3A_321 = arith.constant 0 : i32
      %ge3A_322 = arith.cmpi sge, %reduce_sum3A_316, %ge3A_321 : i32
      %lt3A_323 = arith.constant 128 : i32
      %lt3A_324 = arith.cmpi slt, %reduce_sum3A_316, %lt3A_323 : i32
      %and3A_325 = arith.andi %ge3A_322, %lt3A_324 : i1
      %convert_element_type3A_326 = arith.extui %and3A_325 : i1 to i32
      %cond3A_327 = arith.constant 0 : i32
      %cond3A_328 = arith.cmpi ne, %convert_element_type3A_326, %cond3A_327 : i32
      scf.if %cond3A_328 {
        %swap3A = arith.index_cast %reduce_sum3A_316 : i32 to index
        %swap3A_417 = memref.load %arg10[%swap3A] : memref<128xi32, #tpu.memory_space<smem>>
        memref.store %add3A_320, %arg10[%swap3A] : memref<128xi32, #tpu.memory_space<smem>>
      } else {
      }
      %eq3A_329 = arith.constant 12 : i32
      %eq3A_330 = vector.broadcast %eq3A_329 : i32 to vector<16xi32>
      %eq3A_331 = arith.cmpi eq, %iota3A, %eq3A_330 : vector<16xi32>
      %jit3A_332 = arith.constant 0 : i32
      %broadcast_in_dim3A_333 = vector.broadcast %jit3A_332 : i32 to vector<16xi32>
      %select_n3A_334 = arith.select %eq3A_331, %sub3A_74, %broadcast_in_dim3A_333 : vector<16xi1>, vector<16xi32>
      %reduce_sum3A_335 = arith.constant true
      %reduce_sum3A_336 = vector.broadcast %reduce_sum3A_335 : i1 to vector<16xi1>
      %reduce_sum3A_337 = tpu.scan <sum>, %select_n3A_334 masked %reduce_sum3A_336 : vector<16xi32>, vector<16xi1> -> vector<16xi32>
      %reduce_sum3A_338 = vector.extract %reduce_sum3A_337[15] : i32 from vector<16xi32>
      %mul3A_339 = arith.constant 16 : i32
      %mul3A_340 = arith.muli %add3A_69, %mul3A_339 : i32
      %add3A_341 = arith.constant 12 : i32
      %add3A_342 = arith.addi %mul3A_340, %add3A_341 : i32
      %ge3A_343 = arith.constant 0 : i32
      %ge3A_344 = arith.cmpi sge, %reduce_sum3A_338, %ge3A_343 : i32
      %lt3A_345 = arith.constant 128 : i32
      %lt3A_346 = arith.cmpi slt, %reduce_sum3A_338, %lt3A_345 : i32
      %and3A_347 = arith.andi %ge3A_344, %lt3A_346 : i1
      %convert_element_type3A_348 = arith.extui %and3A_347 : i1 to i32
      %cond3A_349 = arith.constant 0 : i32
      %cond3A_350 = arith.cmpi ne, %convert_element_type3A_348, %cond3A_349 : i32
      scf.if %cond3A_350 {
        %swap3A = arith.index_cast %reduce_sum3A_338 : i32 to index
        %swap3A_417 = memref.load %arg10[%swap3A] : memref<128xi32, #tpu.memory_space<smem>>
        memref.store %add3A_342, %arg10[%swap3A] : memref<128xi32, #tpu.memory_space<smem>>
      } else {
      }
      %eq3A_351 = arith.constant 13 : i32
      %eq3A_352 = vector.broadcast %eq3A_351 : i32 to vector<16xi32>
      %eq3A_353 = arith.cmpi eq, %iota3A, %eq3A_352 : vector<16xi32>
      %jit3A_354 = arith.constant 0 : i32
      %broadcast_in_dim3A_355 = vector.broadcast %jit3A_354 : i32 to vector<16xi32>
      %select_n3A_356 = arith.select %eq3A_353, %sub3A_74, %broadcast_in_dim3A_355 : vector<16xi1>, vector<16xi32>
      %reduce_sum3A_357 = arith.constant true
      %reduce_sum3A_358 = vector.broadcast %reduce_sum3A_357 : i1 to vector<16xi1>
      %reduce_sum3A_359 = tpu.scan <sum>, %select_n3A_356 masked %reduce_sum3A_358 : vector<16xi32>, vector<16xi1> -> vector<16xi32>
      %reduce_sum3A_360 = vector.extract %reduce_sum3A_359[15] : i32 from vector<16xi32>
      %mul3A_361 = arith.constant 16 : i32
      %mul3A_362 = arith.muli %add3A_69, %mul3A_361 : i32
      %add3A_363 = arith.constant 13 : i32
      %add3A_364 = arith.addi %mul3A_362, %add3A_363 : i32
      %ge3A_365 = arith.constant 0 : i32
      %ge3A_366 = arith.cmpi sge, %reduce_sum3A_360, %ge3A_365 : i32
      %lt3A_367 = arith.constant 128 : i32
      %lt3A_368 = arith.cmpi slt, %reduce_sum3A_360, %lt3A_367 : i32
      %and3A_369 = arith.andi %ge3A_366, %lt3A_368 : i1
      %convert_element_type3A_370 = arith.extui %and3A_369 : i1 to i32
      %cond3A_371 = arith.constant 0 : i32
      %cond3A_372 = arith.cmpi ne, %convert_element_type3A_370, %cond3A_371 : i32
      scf.if %cond3A_372 {
        %swap3A = arith.index_cast %reduce_sum3A_360 : i32 to index
        %swap3A_417 = memref.load %arg10[%swap3A] : memref<128xi32, #tpu.memory_space<smem>>
        memref.store %add3A_364, %arg10[%swap3A] : memref<128xi32, #tpu.memory_space<smem>>
      } else {
      }
      %eq3A_373 = arith.constant 14 : i32
      %eq3A_374 = vector.broadcast %eq3A_373 : i32 to vector<16xi32>
      %eq3A_375 = arith.cmpi eq, %iota3A, %eq3A_374 : vector<16xi32>
      %jit3A_376 = arith.constant 0 : i32
      %broadcast_in_dim3A_377 = vector.broadcast %jit3A_376 : i32 to vector<16xi32>
      %select_n3A_378 = arith.select %eq3A_375, %sub3A_74, %broadcast_in_dim3A_377 : vector<16xi1>, vector<16xi32>
      %reduce_sum3A_379 = arith.constant true
      %reduce_sum3A_380 = vector.broadcast %reduce_sum3A_379 : i1 to vector<16xi1>
      %reduce_sum3A_381 = tpu.scan <sum>, %select_n3A_378 masked %reduce_sum3A_380 : vector<16xi32>, vector<16xi1> -> vector<16xi32>
      %reduce_sum3A_382 = vector.extract %reduce_sum3A_381[15] : i32 from vector<16xi32>
      %mul3A_383 = arith.constant 16 : i32
      %mul3A_384 = arith.muli %add3A_69, %mul3A_383 : i32
      %add3A_385 = arith.constant 14 : i32
      %add3A_386 = arith.addi %mul3A_384, %add3A_385 : i32
      %ge3A_387 = arith.constant 0 : i32
      %ge3A_388 = arith.cmpi sge, %reduce_sum3A_382, %ge3A_387 : i32
      %lt3A_389 = arith.constant 128 : i32
      %lt3A_390 = arith.cmpi slt, %reduce_sum3A_382, %lt3A_389 : i32
      %and3A_391 = arith.andi %ge3A_388, %lt3A_390 : i1
      %convert_element_type3A_392 = arith.extui %and3A_391 : i1 to i32
      %cond3A_393 = arith.constant 0 : i32
      %cond3A_394 = arith.cmpi ne, %convert_element_type3A_392, %cond3A_393 : i32
      scf.if %cond3A_394 {
        %swap3A = arith.index_cast %reduce_sum3A_382 : i32 to index
        %swap3A_417 = memref.load %arg10[%swap3A] : memref<128xi32, #tpu.memory_space<smem>>
        memref.store %add3A_386, %arg10[%swap3A] : memref<128xi32, #tpu.memory_space<smem>>
      } else {
      }
      %eq3A_395 = arith.constant 15 : i32
      %eq3A_396 = vector.broadcast %eq3A_395 : i32 to vector<16xi32>
      %eq3A_397 = arith.cmpi eq, %iota3A, %eq3A_396 : vector<16xi32>
      %jit3A_398 = arith.constant 0 : i32
      %broadcast_in_dim3A_399 = vector.broadcast %jit3A_398 : i32 to vector<16xi32>
      %select_n3A_400 = arith.select %eq3A_397, %sub3A_74, %broadcast_in_dim3A_399 : vector<16xi1>, vector<16xi32>
      %reduce_sum3A_401 = arith.constant true
      %reduce_sum3A_402 = vector.broadcast %reduce_sum3A_401 : i1 to vector<16xi1>
      %reduce_sum3A_403 = tpu.scan <sum>, %select_n3A_400 masked %reduce_sum3A_402 : vector<16xi32>, vector<16xi1> -> vector<16xi32>
      %reduce_sum3A_404 = vector.extract %reduce_sum3A_403[15] : i32 from vector<16xi32>
      %mul3A_405 = arith.constant 16 : i32
      %mul3A_406 = arith.muli %add3A_69, %mul3A_405 : i32
      %add3A_407 = arith.constant 15 : i32
      %add3A_408 = arith.addi %mul3A_406, %add3A_407 : i32
      %ge3A_409 = arith.constant 0 : i32
      %ge3A_410 = arith.cmpi sge, %reduce_sum3A_404, %ge3A_409 : i32
      %lt3A_411 = arith.constant 128 : i32
      %lt3A_412 = arith.cmpi slt, %reduce_sum3A_404, %lt3A_411 : i32
      %and3A_413 = arith.andi %ge3A_410, %lt3A_412 : i1
      %convert_element_type3A_414 = arith.extui %and3A_413 : i1 to i32
      %cond3A_415 = arith.constant 0 : i32
      %cond3A_416 = arith.cmpi ne, %convert_element_type3A_414, %cond3A_415 : i32
      scf.if %cond3A_416 {
        %swap3A = arith.index_cast %reduce_sum3A_404 : i32 to index
        %swap3A_417 = memref.load %arg10[%swap3A] : memref<128xi32, #tpu.memory_space<smem>>
        memref.store %add3A_408, %arg10[%swap3A] : memref<128xi32, #tpu.memory_space<smem>>
      } else {
      }
    }
    %scan3A_18 = arith.constant 16 : i32
    %dma_wait3A = arith.constant 0 : i32
    %dma_wait3A_19 = tpu.memref_slice %arg2[%mul3A_2, %dma_wait3A] : memref<4096x128xf32, #tpu.memory_space<hbm>> -> memref<128x128xf32, #tpu.memory_space<hbm>>
    %dma_wait3A_20 = arith.constant 0 : i32
    %dma_wait3A_21 = tpu.memref_slice %arg2[%mul3A_2, %dma_wait3A_20] : memref<4096x128xf32, #tpu.memory_space<hbm>> -> memref<128x128xf32, #tpu.memory_space<hbm>>
    tpu.wait_dma2 semaphore(%arg13 : memref<!tpu.dma_semaphore, #tpu.memory_space<semaphore_mem>>) src(%dma_wait3A_21 : memref<128x128xf32, #tpu.memory_space<hbm>>) dst(%arg11 : memref<128x128xf32, #tpu.memory_space<vmem>>)
    %dma_wait3A_22 = arith.constant 0 : i32
    %dma_wait3A_23 = tpu.memref_slice %arg3[%mul3A_2, %dma_wait3A_22] : memref<4096x128xf32, #tpu.memory_space<hbm>> -> memref<128x128xf32, #tpu.memory_space<hbm>>
    %dma_wait3A_24 = arith.constant 0 : i32
    %dma_wait3A_25 = tpu.memref_slice %arg3[%mul3A_2, %dma_wait3A_24] : memref<4096x128xf32, #tpu.memory_space<hbm>> -> memref<128x128xf32, #tpu.memory_space<hbm>>
    tpu.wait_dma2 semaphore(%arg13 : memref<!tpu.dma_semaphore, #tpu.memory_space<semaphore_mem>>) src(%dma_wait3A_25 : memref<128x128xf32, #tpu.memory_space<hbm>>) dst(%arg12 : memref<128x128xf32, #tpu.memory_space<vmem>>)
    %scan3A_26 = arith.constant 0 : i32
    %scan3A_27 = arith.constant 0 : i32
    %scan3A_28 = arith.constant 128 : i32
    %scan3A_29 = arith.addi %scan3A_27, %scan3A_28 : i32
    %scan3A_30 = arith.constant 1 : i32
    %scan3A_31 = scf.for %scan3A_65 = %scan3A_27 to %scan3A_29 step %scan3A_30 iter_args(%scan3A_66 = %scan3A_26) -> (i32)  : i32 {
      %get3A = arith.index_cast %scan3A_65 : i32 to index
      %get3A_67 = memref.load %arg10[%get3A] : memref<128xi32, #tpu.memory_space<smem>>
      %ge3A = arith.constant 0 : i32
      %ge3A_68 = arith.cmpi sge, %get3A_67, %ge3A : i32
      %convert_element_type3A = arith.extui %ge3A_68 : i1 to i32
      %cond3A = arith.constant 0 : i32
      %cond3A_69 = arith.cmpi ne, %convert_element_type3A, %cond3A : i32
      %cond3A_70 = scf.if %cond3A_69 -> (i32) {
        %dma_start3A_71 = arith.constant 0 : i32
        %dma_start3A_72 = tpu.memref_slice %arg11[%scan3A_65, %dma_start3A_71] : memref<128x128xf32, #tpu.memory_space<vmem>> -> memref<1x128xf32, #tpu.memory_space<vmem>>
        %dma_start3A_73 = arith.constant 0 : i32
        %dma_start3A_74 = tpu.memref_slice %arg4[%get3A_67, %dma_start3A_73] : memref<256x128xf32, #tpu.memory_space<hbm>> -> memref<1x128xf32, #tpu.memory_space<hbm>>
        %dma_start3A_75 = arith.constant 0 : i32
        %dma_start3A_76 = tpu.memref_slice %arg11[%scan3A_65, %dma_start3A_75] : memref<128x128xf32, #tpu.memory_space<vmem>> -> memref<1x128xf32, #tpu.memory_space<vmem>>
        %dma_start3A_77 = arith.constant 0 : i32
        %dma_start3A_78 = tpu.memref_slice %arg4[%get3A_67, %dma_start3A_77] : memref<256x128xf32, #tpu.memory_space<hbm>> -> memref<1x128xf32, #tpu.memory_space<hbm>>
        tpu.enqueue_dma source(%dma_start3A_78 : memref<1x128xf32, #tpu.memory_space<hbm>>) target(%dma_start3A_76 : memref<1x128xf32, #tpu.memory_space<vmem>>) target_semaphore(%arg15 : memref<!tpu.dma_semaphore, #tpu.memory_space<semaphore_mem>>)
        %dma_start3A_79 = arith.constant 0 : i32
        %dma_start3A_80 = tpu.memref_slice %arg12[%scan3A_65, %dma_start3A_79] : memref<128x128xf32, #tpu.memory_space<vmem>> -> memref<1x128xf32, #tpu.memory_space<vmem>>
        %dma_start3A_81 = arith.constant 0 : i32
        %dma_start3A_82 = tpu.memref_slice %arg5[%get3A_67, %dma_start3A_81] : memref<256x128xf32, #tpu.memory_space<hbm>> -> memref<1x128xf32, #tpu.memory_space<hbm>>
        %dma_start3A_83 = arith.constant 0 : i32
        %dma_start3A_84 = tpu.memref_slice %arg12[%scan3A_65, %dma_start3A_83] : memref<128x128xf32, #tpu.memory_space<vmem>> -> memref<1x128xf32, #tpu.memory_space<vmem>>
        %dma_start3A_85 = arith.constant 0 : i32
        %dma_start3A_86 = tpu.memref_slice %arg5[%get3A_67, %dma_start3A_85] : memref<256x128xf32, #tpu.memory_space<hbm>> -> memref<1x128xf32, #tpu.memory_space<hbm>>
        tpu.enqueue_dma source(%dma_start3A_86 : memref<1x128xf32, #tpu.memory_space<hbm>>) target(%dma_start3A_84 : memref<1x128xf32, #tpu.memory_space<vmem>>) target_semaphore(%arg15 : memref<!tpu.dma_semaphore, #tpu.memory_space<semaphore_mem>>)
        %add3A_87 = arith.constant 2 : i32
        %add3A_88 = arith.addi %scan3A_66, %add3A_87 : i32
        scf.yield %add3A_88 : i32
      } else {
        scf.yield %scan3A_66 : i32
      }
      scf.yield %cond3A_70 : i32
    }
    %scan3A_32 = arith.constant 128 : i32
    %sub3A = arith.constant 0 : i32
    %sub3A_33 = arith.subi %scan3A_31, %sub3A : i32
    %sub3A_34 = arith.constant 1 : i32
    %sub3A_35 = arith.constant 1 : i32
    %sub3A_36 = arith.subi %sub3A_34, %sub3A_35 : i32
    %add3A_37 = arith.addi %sub3A_33, %sub3A_36 : i32
    %div3A = arith.constant 1 : i32
    %div3A_38 = arith.divsi %add3A_37, %div3A : i32
    %while3A = arith.constant 1 : i32
    %while3A_39 = arith.constant 0 : i32
    %while3A_40 = arith.constant 0 : i32
    %while3A_41 = arith.subi %div3A_38, %while3A_40 : i32
    %while3A_42 = arith.addi %while3A_40, %while3A_41 : i32
    %while3A_43 = arith.constant 1 : i32
    %while3A_44 = arith.divsi %while3A_41, %while3A_43 : i32
    %while3A_45 = arith.muli %while3A_44, %while3A_43 : i32
    %while3A_46 = arith.addi %while3A_40, %while3A_45 : i32
    %while3A_47 = arith.constant 1 : i32
    scf.for %while3A_65 = %while3A_40 to %while3A_46 step %while3A_47  : i32 {
      %mul3A_66 = arith.muli %while3A_65, %while3A : i32
      %add3A_67 = arith.addi %while3A_39, %mul3A_66 : i32
      %dma_wait3A_68 = arith.constant 0 : i32
      %dma_wait3A_69 = arith.constant 0 : i32
      %dma_wait3A_70 = tpu.memref_slice %arg11[%dma_wait3A_68, %dma_wait3A_69] : memref<128x128xf32, #tpu.memory_space<vmem>> -> memref<1x128xf32, #tpu.memory_space<vmem>>
      %dma_wait3A_71 = arith.constant 0 : i32
      %dma_wait3A_72 = arith.constant 0 : i32
      %dma_wait3A_73 = tpu.memref_slice %arg4[%dma_wait3A_71, %dma_wait3A_72] : memref<256x128xf32, #tpu.memory_space<hbm>> -> memref<1x128xf32, #tpu.memory_space<hbm>>
      %dma_wait3A_74 = arith.constant 0 : i32
      %dma_wait3A_75 = arith.constant 0 : i32
      %dma_wait3A_76 = tpu.memref_slice %arg11[%dma_wait3A_74, %dma_wait3A_75] : memref<128x128xf32, #tpu.memory_space<vmem>> -> memref<1x128xf32, #tpu.memory_space<vmem>>
      %dma_wait3A_77 = arith.constant 0 : i32
      %dma_wait3A_78 = arith.constant 0 : i32
      %dma_wait3A_79 = tpu.memref_slice %arg4[%dma_wait3A_77, %dma_wait3A_78] : memref<256x128xf32, #tpu.memory_space<hbm>> -> memref<1x128xf32, #tpu.memory_space<hbm>>
      tpu.wait_dma2 semaphore(%arg15 : memref<!tpu.dma_semaphore, #tpu.memory_space<semaphore_mem>>) src(%dma_wait3A_79 : memref<1x128xf32, #tpu.memory_space<hbm>>) dst(%dma_wait3A_76 : memref<1x128xf32, #tpu.memory_space<vmem>>)
    }
    %while3A_48 = arith.constant 1 : i32
    scf.for %while3A_65 = %while3A_46 to %while3A_42 step %while3A_48  : i32 {
      %mul3A_66 = arith.muli %while3A_65, %while3A : i32
      %add3A_67 = arith.addi %while3A_39, %mul3A_66 : i32
      %dma_wait3A_68 = arith.constant 0 : i32
      %dma_wait3A_69 = arith.constant 0 : i32
      %dma_wait3A_70 = tpu.memref_slice %arg11[%dma_wait3A_68, %dma_wait3A_69] : memref<128x128xf32, #tpu.memory_space<vmem>> -> memref<1x128xf32, #tpu.memory_space<vmem>>
      %dma_wait3A_71 = arith.constant 0 : i32
      %dma_wait3A_72 = arith.constant 0 : i32
      %dma_wait3A_73 = tpu.memref_slice %arg4[%dma_wait3A_71, %dma_wait3A_72] : memref<256x128xf32, #tpu.memory_space<hbm>> -> memref<1x128xf32, #tpu.memory_space<hbm>>
      %dma_wait3A_74 = arith.constant 0 : i32
      %dma_wait3A_75 = arith.constant 0 : i32
      %dma_wait3A_76 = tpu.memref_slice %arg11[%dma_wait3A_74, %dma_wait3A_75] : memref<128x128xf32, #tpu.memory_space<vmem>> -> memref<1x128xf32, #tpu.memory_space<vmem>>
      %dma_wait3A_77 = arith.constant 0 : i32
      %dma_wait3A_78 = arith.constant 0 : i32
      %dma_wait3A_79 = tpu.memref_slice %arg4[%dma_wait3A_77, %dma_wait3A_78] : memref<256x128xf32, #tpu.memory_space<hbm>> -> memref<1x128xf32, #tpu.memory_space<hbm>>
      tpu.wait_dma2 semaphore(%arg15 : memref<!tpu.dma_semaphore, #tpu.memory_space<semaphore_mem>>) src(%dma_wait3A_79 : memref<1x128xf32, #tpu.memory_space<hbm>>) dst(%dma_wait3A_76 : memref<1x128xf32, #tpu.memory_space<vmem>>)
    }
    %dma_start3A_49 = arith.constant 0 : i32
    %dma_start3A_50 = tpu.memref_slice %arg7[%mul3A_2, %dma_start3A_49] : memref<4096x128xf32, #tpu.memory_space<hbm>> -> memref<128x128xf32, #tpu.memory_space<hbm>>
    %dma_start3A_51 = arith.constant 0 : i32
    %dma_start3A_52 = tpu.memref_slice %arg7[%mul3A_2, %dma_start3A_51] : memref<4096x128xf32, #tpu.memory_space<hbm>> -> memref<128x128xf32, #tpu.memory_space<hbm>>
    tpu.enqueue_dma source(%arg11 : memref<128x128xf32, #tpu.memory_space<vmem>>) target(%dma_start3A_52 : memref<128x128xf32, #tpu.memory_space<hbm>>) target_semaphore(%arg13 : memref<!tpu.dma_semaphore, #tpu.memory_space<semaphore_mem>>)
    %dma_start3A_53 = arith.constant 0 : i32
    %dma_start3A_54 = tpu.memref_slice %arg8[%mul3A_2, %dma_start3A_53] : memref<4096x128xf32, #tpu.memory_space<hbm>> -> memref<128x128xf32, #tpu.memory_space<hbm>>
    %dma_start3A_55 = arith.constant 0 : i32
    %dma_start3A_56 = tpu.memref_slice %arg8[%mul3A_2, %dma_start3A_55] : memref<4096x128xf32, #tpu.memory_space<hbm>> -> memref<128x128xf32, #tpu.memory_space<hbm>>
    tpu.enqueue_dma source(%arg12 : memref<128x128xf32, #tpu.memory_space<vmem>>) target(%dma_start3A_56 : memref<128x128xf32, #tpu.memory_space<hbm>>) target_semaphore(%arg13 : memref<!tpu.dma_semaphore, #tpu.memory_space<semaphore_mem>>)
    %dma_wait3A_57 = arith.constant 0 : i32
    %dma_wait3A_58 = tpu.memref_slice %arg7[%mul3A_2, %dma_wait3A_57] : memref<4096x128xf32, #tpu.memory_space<hbm>> -> memref<128x128xf32, #tpu.memory_space<hbm>>
    %dma_wait3A_59 = arith.constant 0 : i32
    %dma_wait3A_60 = tpu.memref_slice %arg7[%mul3A_2, %dma_wait3A_59] : memref<4096x128xf32, #tpu.memory_space<hbm>> -> memref<128x128xf32, #tpu.memory_space<hbm>>
    tpu.wait_dma2 semaphore(%arg13 : memref<!tpu.dma_semaphore, #tpu.memory_space<semaphore_mem>>) src(%arg11 : memref<128x128xf32, #tpu.memory_space<vmem>>) dst(%dma_wait3A_60 : memref<128x128xf32, #tpu.memory_space<hbm>>)
    %dma_wait3A_61 = arith.constant 0 : i32
    %dma_wait3A_62 = tpu.memref_slice %arg8[%mul3A_2, %dma_wait3A_61] : memref<4096x128xf32, #tpu.memory_space<hbm>> -> memref<128x128xf32, #tpu.memory_space<hbm>>
    %dma_wait3A_63 = arith.constant 0 : i32
    %dma_wait3A_64 = tpu.memref_slice %arg8[%mul3A_2, %dma_wait3A_63] : memref<4096x128xf32, #tpu.memory_space<hbm>> -> memref<128x128xf32, #tpu.memory_space<hbm>>
    tpu.wait_dma2 semaphore(%arg13 : memref<!tpu.dma_semaphore, #tpu.memory_space<semaphore_mem>>) src(%arg12 : memref<128x128xf32, #tpu.memory_space<vmem>>) dst(%dma_wait3A_64 : memref<128x128xf32, #tpu.memory_space<hbm>>)
    return
  }
}

module attributes {stable_mosaic.version = 14 : i64} {
  func.func @_proj_body(%arg0: memref<256x2048xf32, #tpu.memory_space<vmem>>, %arg1: memref<2048x128xf32, #tpu.memory_space<vmem>>, %arg2: memref<2048x128xf32, #tpu.memory_space<vmem>>, %arg3: memref<2048x128xf32, #tpu.memory_space<vmem>>, %arg4: memref<128x2048xf32, #tpu.memory_space<vmem>>, %arg5: memref<256x128xf32, #tpu.memory_space<vmem>>, %arg6: memref<256x128xf32, #tpu.memory_space<vmem>>, %arg7: memref<2048x128xbf16, #tpu.memory_space<vmem>>, %arg8: memref<128x2048xbf16, #tpu.memory_space<vmem>>) attributes {dimension_semantics = [], scalar_prefetch = 0 : i64, scratch_operands = 0 : i64, tpu.core_type = #tpu.core_type<tc>} {
    %get3A = arith.constant 0 : index
    %get3A_0 = arith.constant 0 : index
    %get3A_1 = vector.load %arg0[%get3A, %get3A_0] : memref<256x2048xf32, #tpu.memory_space<vmem>>, vector<256x2048xf32>
    %convert_element_type3A = arith.truncf %get3A_1 : vector<256x2048xf32> to vector<256x2048xbf16>
    %get3A_2 = arith.constant 0 : index
    %get3A_3 = arith.constant 0 : index
    %get3A_4 = vector.load %arg1[%get3A_2, %get3A_3] : memref<2048x128xf32, #tpu.memory_space<vmem>>, vector<2048x128xf32>
    %convert_element_type3A_5 = arith.truncf %get3A_4 : vector<2048x128xf32> to vector<2048x128xbf16>
    %dot_general3A = arith.constant dense<0.000000e+00> : vector<256x128xf32>
    %dot_general3A_6 = tpu.matmul %convert_element_type3A, %convert_element_type3A_5, %dot_general3A {dimension_numbers = #tpu.dot_dimension_numbers<[1], [0], [0], [1], [0, 0, 1, 1], [], []>, transpose_lhs_hint = false} : vector<256x2048xbf16>, vector<2048x128xbf16>, vector<256x128xf32> -> vector<256x128xf32>
    %swap3A = arith.constant 0 : index
    %swap3A_7 = arith.constant 0 : index
    %swap3A_8 = vector.load %arg5[%swap3A, %swap3A_7] : memref<256x128xf32, #tpu.memory_space<vmem>>, vector<256x128xf32>
    tpu.vector_store %arg5[%swap3A, %swap3A_7], %dot_general3A_6 {strides = array<i32>} : memref<256x128xf32, #tpu.memory_space<vmem>>, vector<256x128xf32>,
    %get3A_9 = arith.constant 0 : index
    %get3A_10 = arith.constant 0 : index
    %get3A_11 = vector.load %arg2[%get3A_9, %get3A_10] : memref<2048x128xf32, #tpu.memory_space<vmem>>, vector<2048x128xf32>
    %convert_element_type3A_12 = arith.truncf %get3A_11 : vector<2048x128xf32> to vector<2048x128xbf16>
    %dot_general3A_13 = arith.constant dense<0.000000e+00> : vector<256x128xf32>
    %dot_general3A_14 = tpu.matmul %convert_element_type3A, %convert_element_type3A_12, %dot_general3A_13 {dimension_numbers = #tpu.dot_dimension_numbers<[1], [0], [0], [1], [0, 0, 1, 1], [], []>, transpose_lhs_hint = false} : vector<256x2048xbf16>, vector<2048x128xbf16>, vector<256x128xf32> -> vector<256x128xf32>
    %mul3A = arith.constant 8.000000e-01 : f32
    %mul3A_15 = vector.broadcast %mul3A : f32 to vector<256x128xf32>
    %mul3A_16 = arith.mulf %mul3A_15, %dot_general3A_14 : vector<256x128xf32>
    %swap3A_17 = arith.constant 0 : index
    %swap3A_18 = arith.constant 0 : index
    %swap3A_19 = vector.load %arg6[%swap3A_17, %swap3A_18] : memref<256x128xf32, #tpu.memory_space<vmem>>, vector<256x128xf32>
    tpu.vector_store %arg6[%swap3A_17, %swap3A_18], %mul3A_16 {strides = array<i32>} : memref<256x128xf32, #tpu.memory_space<vmem>>, vector<256x128xf32>,
    %get3A_20 = arith.constant 0 : index
    %get3A_21 = arith.constant 0 : index
    %get3A_22 = vector.load %arg3[%get3A_20, %get3A_21] : memref<2048x128xf32, #tpu.memory_space<vmem>>, vector<2048x128xf32>
    %mul3A_23 = arith.constant 0.127517432 : f32
    %mul3A_24 = vector.broadcast %mul3A_23 : f32 to vector<2048x128xf32>
    %mul3A_25 = arith.mulf %get3A_22, %mul3A_24 : vector<2048x128xf32>
    %convert_element_type3A_26 = arith.truncf %mul3A_25 : vector<2048x128xf32> to vector<2048x128xbf16>
    %swap3A_27 = arith.constant 0 : index
    %swap3A_28 = arith.constant 0 : index
    %swap3A_29 = vector.load %arg7[%swap3A_27, %swap3A_28] : memref<2048x128xbf16, #tpu.memory_space<vmem>>, vector<2048x128xbf16>
    tpu.vector_store %arg7[%swap3A_27, %swap3A_28], %convert_element_type3A_26 {strides = array<i32>} : memref<2048x128xbf16, #tpu.memory_space<vmem>>, vector<2048x128xbf16>,
    %get3A_30 = arith.constant 0 : index
    %get3A_31 = arith.constant 0 : index
    %get3A_32 = vector.load %arg4[%get3A_30, %get3A_31] : memref<128x2048xf32, #tpu.memory_space<vmem>>, vector<128x2048xf32>
    %mul3A_33 = arith.constant 5.000000e-01 : f32
    %mul3A_34 = vector.broadcast %mul3A_33 : f32 to vector<128x2048xf32>
    %mul3A_35 = arith.mulf %get3A_32, %mul3A_34 : vector<128x2048xf32>
    %convert_element_type3A_36 = arith.truncf %mul3A_35 : vector<128x2048xf32> to vector<128x2048xbf16>
    %swap3A_37 = arith.constant 0 : index
    %swap3A_38 = arith.constant 0 : index
    %swap3A_39 = vector.load %arg8[%swap3A_37, %swap3A_38] : memref<128x2048xbf16, #tpu.memory_space<vmem>>, vector<128x2048xbf16>
    tpu.vector_store %arg8[%swap3A_37, %swap3A_38], %convert_element_type3A_36 {strides = array<i32>} : memref<128x2048xbf16, #tpu.memory_space<vmem>>, vector<128x2048xbf16>,
    return
  }
}

module attributes {stable_mosaic.version = 14 : i64} {
  func.func @_attn_body(%arg0: i32, %arg1: memref<1024x2048xf32, #tpu.memory_space<vmem>>, %arg2: memref<4096x128xf32, #tpu.memory_space<vmem>>, %arg3: memref<4096x128xf32, #tpu.memory_space<vmem>>, %arg4: memref<2048x128xbf16, #tpu.memory_space<vmem>>, %arg5: memref<128x2048xbf16, #tpu.memory_space<vmem>>, %arg6: memref<1024x2048xf32, #tpu.memory_space<vmem>>, %arg7: memref<4096x128xbf16, #tpu.memory_space<vmem>>, %arg8: memref<4096x256xbf16, #tpu.memory_space<vmem>>) attributes {dimension_semantics = [#tpu.dimension_semantics<arbitrary>], iteration_bounds = array<i64: 8>, scalar_prefetch = 0 : i64, scratch_operands = 2 : i64, tpu.core_type = #tpu.core_type<tc>, window_params = [{transform_indices = @transform_0, window_bounds = array<i64: 1024, 2048>}, {pipeline_mode = #tpu.pipeline_mode<synchronous>, transform_indices = @transform_1, window_bounds = array<i64: 4096, 128>}, {pipeline_mode = #tpu.pipeline_mode<synchronous>, transform_indices = @transform_2, window_bounds = array<i64: 4096, 128>}, {pipeline_mode = #tpu.pipeline_mode<synchronous>, transform_indices = @transform_3, window_bounds = array<i64: 2048, 128>}, {pipeline_mode = #tpu.pipeline_mode<synchronous>, transform_indices = @transform_4, window_bounds = array<i64: 128, 2048>}, {transform_indices = @transform_5, window_bounds = array<i64: 1024, 2048>}]} {
    %eq3A = arith.constant 0 : i32
    %eq3A_0 = arith.cmpi eq, %arg0, %eq3A : i32
    %convert_element_type3A = arith.extui %eq3A_0 : i1 to i32
    %cond3A = arith.constant 0 : i32
    %cond3A_1 = arith.cmpi ne, %convert_element_type3A, %cond3A : i32
    scf.if %cond3A_1 {
      %get3A_33 = arith.constant 0 : index
      %get3A_34 = arith.constant 0 : index
      %get3A_35 = vector.load %arg2[%get3A_33, %get3A_34] : memref<4096x128xf32, #tpu.memory_space<vmem>>, vector<4096x128xf32>
      %convert_element_type3A_36 = arith.truncf %get3A_35 : vector<4096x128xf32> to vector<4096x128xbf16>
      %swap3A_37 = arith.constant 0 : index
      %swap3A_38 = arith.constant 0 : index
      %swap3A_39 = vector.load %arg7[%swap3A_37, %swap3A_38] : memref<4096x128xbf16, #tpu.memory_space<vmem>>, vector<4096x128xbf16>
      tpu.vector_store %arg7[%swap3A_37, %swap3A_38], %convert_element_type3A_36 {strides = array<i32>} : memref<4096x128xbf16, #tpu.memory_space<vmem>>, vector<4096x128xbf16>,
      %get3A_40 = arith.constant 0 : index
      %get3A_41 = arith.constant 0 : index
      %get3A_42 = vector.load %arg3[%get3A_40, %get3A_41] : memref<4096x128xf32, #tpu.memory_space<vmem>>, vector<4096x128xf32>
      %convert_element_type3A_43 = arith.truncf %get3A_42 : vector<4096x128xf32> to vector<4096x128xbf16>
      %swap3A_44 = arith.constant 0 : index
      %swap3A_45 = arith.constant 0 : index
      %swap3A_46 = vector.load %arg8[%swap3A_44, %swap3A_45] : memref<4096x256xbf16, #tpu.memory_space<vmem>>, vector<4096x128xbf16>
      tpu.vector_store %arg8[%swap3A_44, %swap3A_45], %convert_element_type3A_43 {strides = array<i32>} : memref<4096x256xbf16, #tpu.memory_space<vmem>>, vector<4096x128xbf16>,
      %iota3A = tpu.iota {dimensions = array<i32: 1>} : vector<4096x128xi32>
      %eq3A_47 = arith.constant 0 : i32
      %eq3A_48 = vector.broadcast %eq3A_47 : i32 to vector<4096x128xi32>
      %eq3A_49 = arith.cmpi eq, %iota3A, %eq3A_48 : vector<4096x128xi32>
      %jit3A = arith.constant 1.000000e+00 : f32
      %jit3A_50 = arith.constant 0.000000e+00 : f32
      %broadcast_in_dim3A = vector.broadcast %jit3A : f32 to vector<4096x128xf32>
      %broadcast_in_dim3A_51 = vector.broadcast %jit3A_50 : f32 to vector<4096x128xf32>
      %select_n3A = arith.select %eq3A_49, %broadcast_in_dim3A, %broadcast_in_dim3A_51 : vector<4096x128xi1>, vector<4096x128xf32>
      %convert_element_type3A_52 = arith.truncf %select_n3A : vector<4096x128xf32> to vector<4096x128xbf16>
      %swap3A_53 = arith.constant 0 : index
      %swap3A_54 = arith.constant 128 : index
      %swap3A_55 = vector.load %arg8[%swap3A_53, %swap3A_54] : memref<4096x256xbf16, #tpu.memory_space<vmem>>, vector<4096x128xbf16>
      tpu.vector_store %arg8[%swap3A_53, %swap3A_54], %convert_element_type3A_52 {strides = array<i32>} : memref<4096x256xbf16, #tpu.memory_space<vmem>>, vector<4096x128xbf16>,
    } else {
    }
    %get3A = arith.constant 0 : index
    %get3A_2 = arith.constant 0 : index
    %get3A_3 = vector.load %arg1[%get3A, %get3A_2] : memref<1024x2048xf32, #tpu.memory_space<vmem>>, vector<1024x2048xf32>
    %convert_element_type3A_4 = arith.truncf %get3A_3 : vector<1024x2048xf32> to vector<1024x2048xbf16>
    %get3A_5 = arith.constant 0 : index
    %get3A_6 = arith.constant 0 : index
    %get3A_7 = vector.load %arg4[%get3A_5, %get3A_6] : memref<2048x128xbf16, #tpu.memory_space<vmem>>, vector<2048x128xbf16>
    %dot_general3A = arith.constant dense<0.000000e+00> : vector<1024x128xf32>
    %dot_general3A_8 = tpu.matmul %convert_element_type3A_4, %get3A_7, %dot_general3A {dimension_numbers = #tpu.dot_dimension_numbers<[1], [0], [0], [1], [0, 0, 1, 1], [], []>, transpose_lhs_hint = false} : vector<1024x2048xbf16>, vector<2048x128xbf16>, vector<1024x128xf32> -> vector<1024x128xf32>
    %convert_element_type3A_9 = arith.truncf %dot_general3A_8 : vector<1024x128xf32> to vector<1024x128xbf16>
    %get3A_10 = arith.constant 0 : index
    %get3A_11 = arith.constant 0 : index
    %get3A_12 = vector.load %arg7[%get3A_10, %get3A_11] : memref<4096x128xbf16, #tpu.memory_space<vmem>>, vector<4096x128xbf16>
    %dot_general3A_13 = arith.constant dense<0.000000e+00> : vector<1024x4096xf32>
    %dot_general3A_14 = tpu.matmul %convert_element_type3A_9, %get3A_12, %dot_general3A_13 {dimension_numbers = #tpu.dot_dimension_numbers<[1], [1], [0], [0], [0, 0, 1, 0], [], []>, transpose_lhs_hint = false} : vector<1024x128xbf16>, vector<4096x128xbf16>, vector<1024x4096xf32> -> vector<1024x4096xf32>
    %exp23A = math.exp2 %dot_general3A_14 : vector<1024x4096xf32>
    %convert_element_type3A_15 = arith.truncf %exp23A : vector<1024x4096xf32> to vector<1024x4096xbf16>
    %get3A_16 = arith.constant 0 : index
    %get3A_17 = arith.constant 0 : index
    %get3A_18 = vector.load %arg8[%get3A_16, %get3A_17] : memref<4096x256xbf16, #tpu.memory_space<vmem>>, vector<4096x256xbf16>
    %dot_general3A_19 = arith.constant dense<0.000000e+00> : vector<1024x256xf32>
    %dot_general3A_20 = tpu.matmul %convert_element_type3A_15, %get3A_18, %dot_general3A_19 {dimension_numbers = #tpu.dot_dimension_numbers<[1], [0], [0], [1], [0, 0, 1, 1], [], []>, transpose_lhs_hint = false} : vector<1024x4096xbf16>, vector<4096x256xbf16>, vector<1024x256xf32> -> vector<1024x256xf32>
    %slice3A = vector.extract_strided_slice %dot_general3A_20 {offsets = [0, 0], sizes = [1024, 128], strides = [1, 1]} : vector<1024x256xf32> to vector<1024x128xf32>
    %slice3A_21 = vector.extract_strided_slice %dot_general3A_20 {offsets = [0, 128], sizes = [1024, 1], strides = [1, 1]} : vector<1024x256xf32> to vector<1024x1xf32>
    %div3A = arith.constant 1.000000e+00 : f32
    %div3A_22 = vector.broadcast %div3A : f32 to vector<1024x1xf32>
    %div3A_23 = arith.divf %div3A_22, %slice3A_21 : vector<1024x1xf32>
    %mul3A = vector.broadcast %div3A_23 : vector<1024x1xf32> to vector<1024x128xf32>
    %mul3A_24 = arith.mulf %slice3A, %mul3A : vector<1024x128xf32>
    %convert_element_type3A_25 = arith.truncf %mul3A_24 : vector<1024x128xf32> to vector<1024x128xbf16>
    %get3A_26 = arith.constant 0 : index
    %get3A_27 = arith.constant 0 : index
    %get3A_28 = vector.load %arg5[%get3A_26, %get3A_27] : memref<128x2048xbf16, #tpu.memory_space<vmem>>, vector<128x2048xbf16>
    %dot_general3A_29 = arith.constant dense<0.000000e+00> : vector<1024x2048xf32>
    %dot_general3A_30 = tpu.matmul %convert_element_type3A_25, %get3A_28, %dot_general3A_29 {dimension_numbers = #tpu.dot_dimension_numbers<[1], [0], [0], [1], [0, 0, 1, 1], [], []>, transpose_lhs_hint = false} : vector<1024x128xbf16>, vector<128x2048xbf16>, vector<1024x2048xf32> -> vector<1024x2048xf32>
    %swap3A = arith.constant 0 : index
    %swap3A_31 = arith.constant 0 : index
    %swap3A_32 = vector.load %arg6[%swap3A, %swap3A_31] : memref<1024x2048xf32, #tpu.memory_space<vmem>>, vector<1024x2048xf32>
    tpu.vector_store %arg6[%swap3A, %swap3A_31], %dot_general3A_30 {strides = array<i32>} : memref<1024x2048xf32, #tpu.memory_space<vmem>>, vector<1024x2048xf32>,
    return
  }
  func.func @transform_0(%arg0: i32) -> (i32, i32) {
    %c0_i32 = arith.constant 0 : i32
    %c0_i32_0 = arith.constant 0 : i32
    return %arg0, %c0_i32 : i32, i32
  }
  func.func @transform_1(%arg0: i32) -> (i32, i32) {
    %c0_i32 = arith.constant 0 : i32
    %c0_i32_0 = arith.constant 0 : i32
    %c0_i32_1 = arith.constant 0 : i32
    return %c0_i32, %c0_i32_0 : i32, i32
  }
  func.func @transform_2(%arg0: i32) -> (i32, i32) {
    %c0_i32 = arith.constant 0 : i32
    %c0_i32_0 = arith.constant 0 : i32
    %c0_i32_1 = arith.constant 0 : i32
    return %c0_i32, %c0_i32_0 : i32, i32
  }
  func.func @transform_3(%arg0: i32) -> (i32, i32) {
    %c0_i32 = arith.constant 0 : i32
    %c0_i32_0 = arith.constant 0 : i32
    %c0_i32_1 = arith.constant 0 : i32
    return %c0_i32, %c0_i32_0 : i32, i32
  }
  func.func @transform_4(%arg0: i32) -> (i32, i32) {
    %c0_i32 = arith.constant 0 : i32
    %c0_i32_0 = arith.constant 0 : i32
    %c0_i32_1 = arith.constant 0 : i32
    return %c0_i32, %c0_i32_0 : i32, i32
  }
  func.func @transform_5(%arg0: i32) -> (i32, i32) {
    %c0_i32 = arith.constant 0 : i32
    %c0_i32_0 = arith.constant 0 : i32
    return %arg0, %c0_i32 : i32, i32
  }
}

</mosaic_0001>

<sc_bundles>
// kernel: kernel.5.cloned.1.call-start
scs
__scs_entry_jumppad:
0x0: {  	(pc) =	sbr.rel $0x88, $3  }
0x1: {  	(tag) =	ssettag $0x0;
	lr =	simm.s32 $0x1  }
0x2: {  	[smem:$0x3F98] =	sst lr;
	_ =	strace $0xD0000000  }
0x3: {  	_ = 	snop  }
0x4: {  	_ = 	snop  }
0x5: {  	_ = 	snop  }
0x6: {  	_ = 	snop  }
0x7: {  	_ = 	snop  }
__scs_overlays_trampoline_lowered:
0x8: {  	[smem:$0x3FA7] =	sst s0  }
0x9: {  	[smem:$0x3FA8] =	sst s1  }
0xa: {  	[smem:$0x3FA9] =	sst s2  }
0xb: {  	[smem:$0x3FAA] =	sst s3  }
0xc: {  	[smem:$0x3FAB] =	sst s4  }
0xd: {  	[smem:$0x3FAC] =	sst s5  }
0xe: {  	[smem:$0x3FAD] =	sst s6  }
0xf: {  	[smem:$0x3FAE] =	sst s7  }
0x10: {  	[smem:$0x3FAF] =	sst s8  }
0x11: {  	[smem:$0x3FB0] =	sst s9;
	s0 =	simm.s32 @!p0 $0x0  }
0x12: {  	s1 =	sld [smem:$0x3F96];
	s0 =	simm.s32 @p0 $0x1  }
0x13: {  	[smem:$0x3FB1] =	sst s0;
	s0 =	simm.s32 @!p1 $0x0  }
0x14: {  	s2 =	sld [smem:$0x3F95];
	s0 =	simm.s32 @p1 $0x1  }
0x15: {  	[smem:$0x3FB2] =	sst s0;
	s0 =	simm.s32 @!p2 $0x0  }
0x16: {  	s3 =	sld [smem:$0x3FDB];
	s0 =	simm.s32 @p2 $0x1  }
0x17: {  	s4 =	simm.s32 $0x1BF5;
	[smem:$0x3FB4] =	sst s0  }
0x18: {  	s0 =	sld [smem:$0x3F97];
	_ =	swait.ge [sflag:s4], $0x0  }
0x19: {  	s7 =	sld [smem:$0x3F98]  }
0x1a: {  	s8 =	sadd.s32 $0xFFFFE003, lr  }
0x1b: {  	s9 =	sadd.s32 $0xFFFFFEF7, lr;
	s5 =	simm.s32 $0xFFFFFFFF;
	p2 =	slt.u32 s8, $0xFFFFF086  }
0x1c: {  	p1 =	slt.u32 s9, $0xF7A;
	s5 =	simm.s32 @!p2 $0x0  }
0x1d: {  	s5 =	simm.s32 @p1 $0x1;
	p0 =	seq.s32 s7, s2  }
0x1e: {  	s7 =	smul.u32 @!p0 $0xF7A, s2;
	p2 =	seq.s32 @!p0 s5, $0x0  }
0x1f: {  	s9 =	smul.u32 $0xF7A, s1;
	s8 =	simm.s32 @!p0 $0x1BF5;
	p2 =	por !p2, p0  }
0x20: {  	[sflag:s8] =	ssyncset.s32 @!p0 $0xFFFFF086;
	s6 =	sadd.s32 @!p0 s3, s7;
	s7 =	simm.s32 @!p0 $0x108  }
0x21: {  	s3 =	sadd.s32 s3, s9;
	s6 =	sadd.s32 @!p0 $0x88, s6;
	s7 =	simm.s32 @p2 $0x1082  }
0x22: {  	[simem:s7], [sflag:s8] =	dma.local @!p0 [hbm:s6], $0xF7A  }
0x23: {  	s9 =	sor.u32 $0xD0000000, s2;
	s6 =	simm.s32 $0x108;
	_ =	swait.ge @!p0 [sflag:s8], $0x0  }
0x24: {  	s3 =	sadd.s32 $0x88, s3;
	s6 =	simm.s32 @!p1 $0x1082;
	[sflag:s4] =	ssyncset.s32 $0xFFFFF086  }
0x25: {  	[simem:s6], [sflag:s4] =	dma.local [hbm:s3], $0xF7A  }
0x26: {  	[smem:$0x3F98] =	sst s1;
	(tag) =	ssettag s2;
	_ =	strace s9  }
0x27: {  	s1 =	sld [smem:$0x3FA8]  }
0x28: {  	s2 =	sld [smem:$0x3FA9]  }
0x29: {  	s4 =	sld [smem:$0x3FAB]  }
0x2a: {  	p0 =	seq.s32 s5, $0x0;
	s5 =	sld [smem:$0x3FAC]  }
0x2b: {  	s6 =	sld [smem:$0x3FAD]  }
0x2c: {  	s7 =	sld [smem:$0x3FAE]  }
0x2d: {  	s3 =	simm.s32 $0x108;
	s8 =	sld [smem:$0x3FAF]  }
0x2e: {  	s3 =	simm.s32 @!p0 $0x1082;
	s9 =	sld [smem:$0x3FB0]  }
0x2f: {  	lr =	sadd.s32 s0, s3;
	s0 =	sld [smem:$0x3FA7]  }
0x30: {  	s3 =	sld [smem:$0x3FAA]  }
0x31: {  	[smem:$0x3FB3] =	sst s10  }
0x32: {  	s10 =	sld [smem:$0x3FB1];
	_ =	sdelay $0x3  }
0x33: {  	p0 =	seq.s32 s10, $0x1;
	s10 =	sld [smem:$0x3FB3];
	_ =	sdelay $0x3  }
0x34: {  	[smem:$0x3FB3] =	sst s10  }
0x35: {  	s10 =	sld [smem:$0x3FB2];
	_ =	sdelay $0x3  }
0x36: {  	p1 =	seq.s32 s10, $0x1;
	s10 =	sld [smem:$0x3FB3];
	_ =	sdelay $0x3  }
0x37: {  	[smem:$0x3FB3] =	sst s10  }
0x38: {  	s10 =	sld [smem:$0x3FB4]  }
0x39: {  	_ = 	snop;
	(pc) =	sbr.ind lr, $3  }
0x3a: {  	_ = 	snop  }
0x3b: {  	_ = 	snop  }
0x3c: {  	p2 =	seq.s32 s10, $0x1;
	s10 =	sld [smem:$0x3FB3]  }
0x3d: {  	_ =	shalt  }
0x3e: {  	_ =	shalt  }
0x3f: {  	_ =	shalt  }
0x40: {  	_ =	shalt  }
0x41: {  	_ =	shalt  }
0x42: {  	_ =	shalt  }
0x43: {  	_ =	shalt  }
0x44: {  	_ =	shalt  }
0x45: {  	_ =	shalt  }
0x46: {  	_ =	shalt  }
0x47: {  	_ =	shalt  }
0x48: {  	_ =	shalt  }
0x49: {  	_ =	shalt  }
0x4a: {  	_ =	shalt  }
0x4b: {  	_ =	shalt  }
0x4c: {  	_ =	shalt  }
0x4d: {  	_ =	shalt  }
0x4e: {  	_ =	shalt  }
0x4f: {  	_ =	shalt  }
0x50: {  	_ =	shalt  }
0x51: {  	_ =	shalt  }
0x52: {  	_ =	shalt  }
0x53: {  	_ =	shalt  }
0x54: {  	_ =	shalt  }
0x55: {  	_ =	shalt  }
0x56: {  	_ =	shalt  }
0x57: {  	_ =	shalt  }
0x58: {  	_ =	shalt  }
0x59: {  	_ =	shalt  }
0x5a: {  	_ =	shalt  }
0x5b: {  	_ =	shalt  }
0x5c: {  	_ =	shalt  }
0x5d: {  	_ =	shalt  }
0x5e: {  	_ =	shalt  }
0x5f: {  	_ =	shalt  }
0x60: {  	_ =	shalt  }
0x61: {  	_ =	shalt  }
0x62: {  	_ =	shalt  }
0x63: {  	_ =	shalt  }
0x64: {  	_ =	shalt  }
0x65: {  	_ =	shalt  }
0x66: {  	_ =	shalt  }
0x67: {  	_ =	shalt  }
0x68: {  	_ =	shalt  }
0x69: {  	_ =	shalt  }
0x6a: {  	_ =	shalt  }
0x6b: {  	_ =	shalt  }
0x6c: {  	_ =	shalt  }
0x6d: {  	_ =	shalt  }
0x6e: {  	_ =	shalt  }
0x6f: {  	_ =	shalt  }
0x70: {  	_ =	shalt  }
0x71: {  	_ =	shalt  }
0x72: {  	_ =	shalt  }
0x73: {  	_ =	shalt  }
0x74: {  	_ =	shalt  }
0x75: {  	_ =	shalt  }
0x76: {  	_ =	shalt  }
0x77: {  	_ =	shalt  }
0x78: {  	_ =	shalt  }
0x79: {  	_ =	shalt  }
0x7a: {  	_ =	shalt  }
0x7b: {  	_ =	shalt  }
0x7c: {  	_ =	shalt  }
0x7d: {  	_ =	shalt  }
0x7e: {  	_ =	shalt  }
0x7f: {  	_ =	shalt  }
0x80: {  	_ =	shalt  }
0x81: {  	_ =	shalt  }
0x82: {  	_ =	shalt  }
0x83: {  	_ =	shalt  }
0x84: {  	_ =	shalt  }
0x85: {  	_ =	shalt  }
0x86: {  	_ =	shalt  }
0x87: {  	_ =	shalt  }
.Lfunc_end0:
.L_simem_size_0:
called_computation_lowered:
.L_overlay_start_0:
0x88: {  	s2 =	sld [smem:$0x3FD9]  }
0x89: {  	s3 =	sld [smem:$0x3FFE];
	_ =	sdelay $0x1  }
0x8a: {  	s1 =	srdreg.scid  }
0x8b: {  	s0 =	sand.u32 $0x1, s1  }
0x8c: {  	s17 =	sshll.u32 s0, $0xA;
	s2 =	sadd.s32 s3, s2  }
0x8d: {  	s2 =	sadd.s32 s2, s17  }
0x8e: {  	[smem:$0x3FBF] =	sst s2  }
0x8f: {  	_ = 	snop  }
0x90: {  	s2 =	sld [smem:$0x3FC7]  }
0x91: {  	s18 =	sld [smem:$0x3FC6]  }
0x92: {  	s4 =	sld [smem:$0x3FC5]  }
0x93: {  	s5 =	sld [smem:$0x3FD0];
	(tm) =	ssettm $0x1  }
0x94: {  	s6 =	sld [smem:$0x3FFB];
	_ =	sdelay $0x3  }
0x95: {  	_ =	strace s6  }
0x96: {  	s6 =	sld [smem:$0x3FFC];
	_ =	sdelay $0x3  }
0x97: {  	_ =	strace s6  }
0x98: {  	s6 =	sld [smem:$0x3FFD];
	_ =	sdelay $0x3  }
0x99: {  	_ =	strace s6  }
0x9a: {  	_ =	strace $0x8FFFFFFF  }
0x9b: {  	s19 =	sld [smem:$0x3FDB];
	_ =	sdelay $0x1  }
0x9c: {  	s7 =	simm.s32 $_scs_section_size  }
0x9d: {  	s8 =	simm.s32 $_size__tile_overlayer_lowered;
	s9 =	simm.s32 $_tile_overlayer_lowered  }
0x9e: {  	s22 =	simm.s32 $0x1BFF;
	s21 =	sshll.u32 s9, $0x1;
	s6 =	sadd.s32 s7, s19  }
0x9f: {  	s10 =	simm.s32 $0x0;
	s20 =	sshll.u32 s8, $0x1;
	s8 =	sadd.s32 s21, s6  }
0xa0: {  	[timem:s10], [sflag:s22] =	dma.local [hbm:s8], s20  }
0xa1: {  	_ =	swait.ge [sflag:s22], s20  }
0xa2: {  	s7 =	ssub.s32 $0x0, s20;
	[sflag:s22] =	ssyncset.done $0x0  }
0xa3: {  	[sflag:s22] =	ssyncadd.s32 s7;
	_ =	sdelay $0x1  }
0xa4: {  	s23 =	simm.s32 $0x1B8B  }
0xa5: {  	_ =	swait.ge [sflag:s23], $0x1  }
0xa6: {  	[sflag:s23] =	ssyncset.done $0x0  }
0xa7: {  	s25 =	simm.s32 $0x1B8E;
	s24 =	sld [smem:$0x3FFE];
	[sflag:s23] =	ssyncadd.s32 $0xFFFFFFFF  }
0xa8: {  	s26 =	simm.s32 $execute0_lowered;
	[smem:$0x3FD2] =	sst s25  }
0xa9: {  	s8 =	sshll.u32 s26, $0x1;
	_ =	strace $0x80000046;
	[dreg:$0x1] =	wrdreg $0xFFFFFFFF  }
0xaa: {  	s28 =	simm.s32 $_size_execute0_lowered;
	s6 =	sadd.s32 s6, s8;
	[dreg:$0x0] =	wrdreg $0x0  }
0xab: {  	s8 =	sshll.u32 s28, $0x1;
	[dreg:$0x2] =	wrdreg s6  }
0xac: {  	[dreg:$0x3] =	wrdreg s8  }
0xad: {  	[dreg:$0x4] =	wrdreg $0xC0  }
0xae: {  	_ =	task [dreg:s10], $0x5FFFF  }
0xaf: {  	[dreg:$0x1] =	wrdreg $0xFFFFFFFF  }
0xb0: {  	[dreg:$0x0] =	wrdreg $0x60  }
0xb1: {  	[dreg:$0x2] =	wrdreg s18  }
0xb2: {  	[dreg:$0x3] =	wrdreg s4  }
0xb3: {  	[dreg:$0x4] =	wrdreg s5  }
0xb4: {  	[dreg:$0x5] =	wrdreg s24  }
0xb5: {  	[dreg:$0x6] =	wrdreg s2  }
0xb6: {  	[dreg:$0x7] =	wrdreg $0x9  }
0xb7: {  	_ =	task.clear_ibuf [dreg:s10], $0x8FFFF;
	_ =	strace $0x90000046  }
0xb8: {  	s29 =	simm.s32 $0x9;
	_ =	strace $0x80000048  }
0xb9: {  	_ =	swait.ge [sflag:s29], $0x1  }
0xba: {  	[sflag:s29] =	ssyncadd.s32 $0xFFFFFFFF  }
0xbb: {  	_ =	strace $0x90000048  }
0xbc: {  	_ =	sfence  }
0xbd: {  	s30 =	sld [smem:$0x0];
	_ =	sdelay $0x2  }
0xbe: {  	s31 =	sshll.u32 s1, $0xD;
	s1 =	sshrl.u32 s1, $0x2  }
0xbf: {  	s3 =	sand.u32 $0x4000, s31;
	s1 =	sadd.s32 s1, s30  }
0xc0: {  	s0 =	sor.u32 s3, s0;
	s1 =	sshll.u32 s1, $0x11  }
0xc1: {  	s0 =	sor.u32 s1, s0  }
0xc2: {  	s0 =	sadd.s32 $0x8F2B, s0  }
0xc3: {  	[sflag:s0] =	ssyncadd.remote.s32 $0x1  }
0xc4: {  	_ =	sfence.sel $0xFFFF  }
0xc5: {  	[dreg:$0x0] =	wrdreg $0xFFFFFFFF;
	(pc) =	sbr.abs _section_cstart, $3  }
0xc6: {  	[dreg:$0x1] =	wrdreg $0xFFFFFFFF  }
0xc7: {  	_ =	task.clear_ibuf [dreg:s10], $0x2FFFF;
	_ =	strace $0x9FFFFFFF  }
0xc8: {  	(tm) =	ssettm $0x7FFFFFFF  }
0xc9: {  	_ =	shalt  }
tec
execute0_lowered:
.L_overlay_start_1:
0x0: {  	(tag) =	ssettag $0x1  }
0x1: {  	s0 =	rddreg [dreg:$0x0]  }
0x2: {  	s2 =	rddreg [dreg:$0x1]  }
0x3: {  	s1 =	rddreg [dreg:$0x2]  }
0x4: {  	s3 =	rddreg [dreg:$0x3]  }
0x5: {  	s4 =	srdreg.scid;
	s6 =	stileid.u32  }
0x6: {  	s13 =	simm.s32 $0xFFFFFFFF;
	s14 =	simm.s32 $0x2;
	s15 =	simm.s32 $0x1  }
0x7: {  	s16 =	simm.s32 $0x3;
	s17 =	simm.s32 $0x0;
	s5 =	sand.u32 $0x1, s4  }
0x8: {  	s4 =	simm.s32 $0x0;
	s6 =	sshll.u32 s6, $0x8;
	s7 =	sshll.u32 s5, $0x7  }
0x9: {  	[smem:$0x7FF] =	sst s4;
	s28 =	ssub.s32 $0x2, s5;
	s6 =	sor.u32 s7, s6  }
0xa: {  	vm0 =	vmmov $0x1;
	vm1 =	vcmask $0x308;
	s5 =	sadd.s32 $0x1C00, s3;
	_ =	strace $0x80000047;
	s8 =	sshll.u32 s6, $0x4  }
.Ltmp0:
0xb: {  	vm2 =	vcmask $0x70C;
	vm3 =	vcmask $0xB10;
	vm4 =	vcmask $0xF14;
	s9 =	sshrl.u32 s28, $0x1;
	s0 =	sadd.s32 s0, s8;
	(pc) =	sbr.rel .LBB2_1-.Ltmp0, $4  }
0xc: {  	vm5 =	vcmask $0x1318;
	vm6 =	vcmask $0x171C;
	vm7 =	vcmask $0x1B20;
	s3 =	sadd.s32 s8, s3;
	s29 =	sadd.s32 s2, s8;
	[dreg:$0x6] =	wrdreg s0  }
0xd: {  	vm8 =	vcmask $0x1F24;
	vm9 =	vcmask $0x2328;
	vm10 =	vcmask $0x272C;
	s10 =	ssub.s32 s28, s9;
	[dreg:$0x7] =	wrdreg s29;
	s30 =	sadd.s32 $0xAC00, s3  }
0xe: {  	vm11 =	vcmask $0x2B30;
	vm12 =	vcmask $0x2F34;
	vm13 =	vcmask $0x3338;
	s10 =	smax.u32 s10, $0x1;
	s31 =	sadd.s32 $0x1AC00, s3;
	[dreg:$0x8] =	wrdreg s30  }
0xf: {  	vm14 =	vcmask $0x373C;
	vm15 =	vmmov $0x7fff;
	v0 =	vmov s6;
	s2 =	simm.s32 $0x100;
	s3 =	simm.s32 $0x4100;
	[dreg:$0x9] =	wrdreg s31  }
.LBB2_10:
0x10: {  	[sflag:s16] =	ssyncadd.s32 $0xFFFFFF80  }
.LBB2_11:
0x11: {  	s0 =	rddreg [dreg:$0x8];
	s2 =	simm.s32 $0x100  }
0x12: {  	[hbm4b:s0+s4] =	stream.linear.scatter [tilespmem:s2], [sflag:$0x1], $0x4000, $0x38;
	[tilespmem:$0x8100] =	vst v63  }
0x13: {  	s31 =	rddreg [dreg:$0x9];
	s17 =	sadd.s32 $0x1, s17  }
0x14: {  	[hbm4b:s31+s4] =	stream.linear.scatter [tilespmem:s3], [sflag:$0x1], $0x4000, $0x38;
	[tilespmem:$0x8100] =	vst v63  }
0x15: {  	p0 =	sne.s32 s17, s10;
	_ =	swait.ge [sflag:s15], $0x4000  }
.Ltmp1:
0x16: {  	[sflag:s15] =	ssyncset.done $0x0;
	(pc) =	sbr.rel @!p0 .LBB2_12-.Ltmp1, $4  }
0x17: {  	[sflag:s15] =	ssyncadd.s32 $0xFFFFC000  }
0x18: {  	_ =	swait.ge [sflag:s15], $0x4000  }
0x19: {  	[sflag:s15] =	ssyncset.done $0x0  }
0x1a: {  	[sflag:s15] =	ssyncadd.s32 $0xFFFFC000  }
.LBB2_1:
0x1b: {  	s0 =	rddreg [dreg:$0x6]  }
0x1c: {  	[tilespmem:s2], [sflag:$0x1] =	stream.linear.gather [hbm4b:s0+s4], $0x4000, $0x38;
	[tilespmem:$0x8100] =	vst v63  }
0x1d: {  	s30 =	rddreg [dreg:$0x7]  }
0x1e: {  	[tilespmem:s3], [sflag:$0x1] =	stream.linear.gather [hbm4b:s30+s4], $0x4000, $0x38;
	[tilespmem:$0x8100] =	vst v63  }
0x1f: {  	s31 =	rddreg [dreg:$0x4];
	s0 =	simm.s32 $0x4;
	s2 =	simm.s32 $0x0  }
0x20: {  	[tilespmem:s4], [sflag:$0x2] =	stream.linear.gather [hbm4b:s31+s4], $0x100, $0x38;
	[tilespmem:$0x8100] =	vst v63  }
.LBB2_2:
0x21: {  	p0 =	sne.s32 s0, $0x1FC  }
0x22: {  	[smem:s2] =	sst s13;
	s2 =	smov.u32 s0;
	s0 =	sadd.s32 $0x4, s0  }
.Ltmp2:
0x23: {  	(pc) =	sbr.rel @p0 .LBB2_2-.Ltmp2, $2  }
0x24: {  	_ =	sdelay $0x2  }
0x25: {  	s2 =	sshra.s32 s2, $0x2  }
0x26: {  	[smem:s2] =	sst s13  }
0x27: {  	_ =	swait.ge [sflag:s14], $0x100  }
0x28: {  	[sflag:s14] =	ssyncset.done $0x0  }
0x29: {  	s0 =	simm.s32 $0x0;
	[sflag:s14] =	ssyncadd.s32 $0xFFFFFF00  }
0x2a: {  	v1 =	vld [tilespmem:s0+$0x0];
	_ =	sdelay $0x4  }
0x2b: {  	v1 =	vsub.s32 v1, v0  }
0x2c: {  	v2 =	vsel vm2, $0x0, v1  }
0x2d: {  	v3 =	vnsel vm0, $0x0, v1;
	(xrf0) =	vadd.scan.msk.s32 $0xffff, v2  }
0x2e: {  	v2 =	vsel vm1, $0x0, v1;
	(xrf0) =	vadd.scan.msk.s32 $0xffff, v3  }
0x2f: {  	v3 =	vsel vm3, $0x0, v1;
	(xrf0) =	vadd.scan.msk.s32 $0xffff, v2  }
0x30: {  	v2 =	vsel vm4, $0x0, v1;
	(xrf0) =	vadd.scan.msk.s32 $0xffff, v3  }
0x31: {  	v3 =	vsel vm5, $0x0, v1;
	(xrf0) =	vadd.scan.msk.s32 $0xffff, v2  }
0x32: {  	(xrf0) =	vadd.scan.msk.s32 $0xffff, v3  }
0x33: {  	v2 =	vsel vm6, $0x0, v1;
	v4, _, _ =	vpop (xrf0)  }
0x34: {  	v3 =	vsel vm7, $0x0, v1;
	(xrf0) =	vadd.scan.msk.s32 $0xffff, v2;
	v5, _, _ =	vpop (xrf0);
	(v2sf) =	vpush v4, $0xF  }
0x35: {  	v2 =	vsel vm8, $0x0, v1;
	(xrf0) =	vadd.scan.msk.s32 $0xffff, v3;
	(v2sf) =	vpush v5, $0xF;
	v49, _, _ =	vpop (xrf0)  }
0x36: {  	v3 =	vsel vm9, $0x0, v1;
	(xrf0) =	vadd.scan.msk.s32 $0xffff, v2;
	(v2sf) =	vpush v49, $0xF;
	v50, _, _ =	vpop (xrf0)  }
0x37: {  	v2 =	vsel vm10, $0x0, v1;
	(xrf0) =	vadd.scan.msk.s32 $0xffff, v3;
	(v2sf) =	vpush v50, $0xF;
	v51, _, _ =	vpop (xrf0)  }
0x38: {  	v3 =	vsel vm11, $0x0, v1;
	(xrf0) =	vadd.scan.msk.s32 $0xffff, v2;
	(v2sf) =	vpush v51, $0xF;
	v52, _, _ =	vpop (xrf0)  }
0x39: {  	v2 =	vsel vm12, $0x0, v1;
	(xrf0) =	vadd.scan.msk.s32 $0xffff, v3;
	v3 =	vsel vm13, $0x0, v1;
	(v2sf) =	vpush v52, $0xF  }
0x3a: {  	v53, _, _ =	vpop (xrf0);
	(xrf0) =	vadd.scan.msk.s32 $0xffff, v2;
	v2 =	vsel vm14, $0x0, v1  }
0x3b: {  	(v2sf) =	vpush v53, $0xF;
	v54, _, _ =	vpop (xrf0);
	(xrf0) =	vadd.scan.msk.s32 $0xffff, v3  }
0x3c: {  	s26 =	simm.s32 $0x10;
	(v2sf) =	vpush v54, $0xF;
	v3, _, _ =	vpop (xrf0)  }
0x3d: {  	(xrf0) =	vadd.scan.msk.s32 $0xffff, v2;
	(v2sf) =	vpush v3, $0xF;
	v2, _, _ =	vpop (xrf0);
	v3 =	vld [tilespmem:s26+$0x0]  }
0x3e: {  	(v2sf) =	vpush v2, $0xF;
	v2, _, _ =	vpop (xrf0)  }
0x3f: {  	(v2sf) =	vpush v2, $0xF;
	v2, _, _ =	vpop (xrf0)  }
0x40: {  	(v2sf) =	vpush v2, $0xF;
	v2, _, _ =	vpop (xrf0)  }
0x41: {  	(v2sf) =	vpush v2, $0xF;
	v2, _, _ =	vpop (xrf0)  }
0x42: {  	s20 =	simm.s32 $0xF;
	s19 =	simm.s32 $0x1F;
	v1 =	vsel vm15, $0x0, v1;
	(v2sf) =	vpush v2, $0xF;
	v3 =	vsub.s32 v3, v0  }
0x43: {  	s18 =	simm.s32 $0x2F;
	s21 =	simm.s32 $0x3F;
	(xrf0) =	vadd.scan.msk.s32 $0xffff, v1;
	v2, _, _ =	vpop (xrf0);
	v1 =	vsel vm2, $0x0, v3;
	s0 =	spop (v2sf)  }
0x44: {  	s2 =	simm.s32 $0x0;
	s22 =	simm.s32 $0x20;
	(v2sf) =	vpush v2, $0xF;
	v2 =	vnsel vm0, $0x0, v3;
	(xrf0) =	vadd.scan.msk.s32 $0xffff, v1;
	s3 =	spop (v2sf)  }
0x45: {  	v1 =	vsel vm1, $0x0, v3;
	(xrf0) =	vadd.scan.msk.s32 $0xffff, v2;
	p0 =	sgt.u32 s0, $0x7F;
	p1 =	sgt.u32 s3, $0x7F;
	s23 =	spop (v2sf)  }
0x46: {  	v2 =	vsel vm3, $0x0, v3;
	(xrf0) =	vadd.scan.msk.s32 $0xffff, v1;
	v1 =	vsel vm4, $0x0, v3;
	[smem:s3] =	sst @!p1 s2;
	p1 =	sgt.u32 s23, $0x7F;
	s2 =	spop (v2sf)  }
0x47: {  	s24 =	simm.s32 @!p0 $0x2;
	(xrf0) =	vadd.scan.msk.s32 $0xffff, v2;
	s3 =	simm.s32 @!p1 $0x1;
	s28 =	spop (v2sf)  }
0x48: {  	v2 =	vsel vm5, $0x0, v3;
	(xrf0) =	vadd.scan.msk.s32 $0xffff, v1;
	[smem:s23] =	sst @!p1 s3;
	p2 =	sgt.u32 s28, $0x7F;
	s3 =	spop (v2sf)  }
0x49: {  	v55 =	vsel vm6, $0x0, v3;
	v1, _, _ =	vpop (xrf0);
	(xrf0) =	vadd.scan.msk.s32 $0xffff, v2;
	p1 =	sgt.u32 s2, $0x7F;
	[smem:s0] =	sst @!p0 s24;
	s0 =	simm.s32 @!p2 $0x4  }
0x4a: {  	v2 =	vsel vm7, $0x0, v3;
	s11 =	spop (v2sf);
	v56, _, _ =	vpop (xrf0);
	(xrf0) =	vadd.scan.msk.s32 $0xffff, v55;
	p0 =	sgt.u32 s3, $0x7F;
	(v2sf) =	vpush v1, $0xF;
	s26 =	simm.s32 @!p1 $0x3  }
0x4b: {  	v1 =	vsel vm8, $0x0, v3;
	s6 =	spop (v2sf);
	v57, _, _ =	vpop (xrf0);
	(v2sf) =	vpush v56, $0xF;
	(xrf0) =	vadd.scan.msk.s32 $0xffff, v2;
	s29 =	simm.s32 @!p0 $0x5;
	p4 =	sgt.u32 s11, $0x7F  }
0x4c: {  	v2 =	vsel vm9, $0x0, v3;
	[smem:s2] =	sst @!p1 s26;
	s23 =	spop (v2sf);
	(v2sf) =	vpush v57, $0xF;
	v58, _, _ =	vpop (xrf0);
	(xrf0) =	vadd.scan.msk.s32 $0xffff, v1;
	s12 =	simm.s32 @!p4 $0x6  }
0x4d: {  	p6 =	sgt.u32 s6, $0x7F;
	v1 =	vsel vm10, $0x0, v3;
	[smem:s28] =	sst @!p2 s0;
	s24 =	spop (v2sf);
	(v2sf) =	vpush v58, $0xF;
	v59, _, _ =	vpop (xrf0);
	(xrf0) =	vadd.scan.msk.s32 $0xffff, v2  }
0x4e: {  	s7 =	simm.s32 @!p6 $0x7;
	v2 =	vsel vm11, $0x0, v3;
	p1 =	sgt.u32 s23, $0x7F;
	s25 =	spop (v2sf);
	(v2sf) =	vpush v59, $0xF;
	v60, _, _ =	vpop (xrf0);
	(xrf0) =	vadd.scan.msk.s32 $0xffff, v1  }
0x4f: {  	[smem:s3] =	sst @!p0 s29;
	v1 =	vsel vm12, $0x0, v3;
	s31 =	simm.s32 @!p1 $0x8;
	s26 =	spop (v2sf);
	(v2sf) =	vpush v60, $0xF;
	v61, _, _ =	vpop (xrf0);
	(xrf0) =	vadd.scan.msk.s32 $0xffff, v2  }
0x50: {  	p3 =	sgt.u32 s24, $0x7F;
	[smem:s11] =	sst @!p4 s12;
	v2 =	vsel vm13, $0x0, v3;
	s28 =	spop (v2sf);
	(v2sf) =	vpush v61, $0xF;
	v62, _, _ =	vpop (xrf0);
	(xrf0) =	vadd.scan.msk.s32 $0xffff, v1;
	v1 =	vsel vm14, $0x0, v3  }
0x51: {  	p2 =	sgt.u32 s25, $0x7F;
	[smem:s6] =	sst @!p6 s7;
	s30 =	spop (v2sf);
	(v2sf) =	vpush v62, $0xF;
	v63, _, _ =	vpop (xrf0);
	(xrf0) =	vadd.scan.msk.s32 $0xffff, v2  }
0x52: {  	s3 =	simm.s32 @!p3 $0x9;
	s0 =	simm.s32 @!p2 $0xA;
	p5 =	sgt.u32 s26, $0x7F;
	v2 =	vsel vm15, $0x0, v3;
	(v2sf) =	vpush v63, $0xF;
	v3, _, _ =	vpop (xrf0);
	(xrf0) =	vadd.scan.msk.s32 $0xffff, v1  }
0x53: {  	p4 =	sgt.u32 s28, $0x7F;
	s2 =	simm.s32 @!p5 $0xB;
	s29 =	spop (v2sf);
	(v2sf) =	vpush v3, $0xF;
	v1, _, _ =	vpop (xrf0);
	(xrf0) =	vadd.scan.msk.s32 $0xffff, v2  }
.LBB2_4:
0x54: {  	[smem:s23] =	sst @!p1 s31;
	s6 =	smov.u32 s20;
	s20 =	smov.u32 s19  }
0x55: {  	v2 =	vld [tilespmem:s22+$0x0];
	(v2sf) =	vpush v1, $0xF;
	v1, _, _ =	vpop (xrf0);
	s19 =	smov.u32 s18;
	s18 =	smov.u32 s21;
	s21 =	sadd.s32 $0x10, s21  }
0x56: {  	p0 =	sne.s32 s21, $0x10F;
	(v2sf) =	vpush v1, $0xF;
	v1, _, _ =	vpop (xrf0);
	[smem:s24] =	sst @!p3 s3;
	s3 =	sadd.s32 @!p4 $0xFFFFFFFD, s6  }
0x57: {  	p1 =	sgt.u32 s30, $0x7F;
	(v2sf) =	vpush v1, $0xF;
	v1, _, _ =	vpop (xrf0);
	[smem:s25] =	sst @!p2 s0  }
0x58: {  	s0 =	sadd.s32 @!p1 $0xFFFFFFFE, s6;
	(v2sf) =	vpush v1, $0xF;
	v1, _, _ =	vpop (xrf0);
	[smem:s26] =	sst @!p5 s2  }
0x59: {  	p2 =	sgt.u32 s29, $0x7F;
	s2 =	sadd.s32 $0xFFFFFFF1, s20;
	(v2sf) =	vpush v1, $0xF;
	v1, _, _ =	vpop (xrf0);
	[smem:s28] =	sst @!p4 s3  }
0x5a: {  	v2 =	vsub.s32 v2, v0;
	(v2sf) =	vpush v1, $0xF;
	v1, _, _ =	vpop (xrf0);
	[smem:s30] =	sst @!p1 s0;
	s0 =	sadd.s32 @!p2 $0xFFFFFFFF, s6;
	s3 =	spop (v2sf)  }
0x5b: {  	v3 =	vnsel vm0, $0x0, v2;
	v4 =	vsel vm1, $0x0, v2;
	v5 =	vsel vm2, $0x0, v2;
	s7 =	spop (v2sf);
	[smem:s29] =	sst @!p2 s0;
	p1 =	sgt.u32 s3, $0x7F  }
0x5c: {  	s22 =	sadd.s32 $0x10, s22;
	v6 =	vsel vm3, $0x0, v2;
	v7 =	vsel vm4, $0x0, v2;
	v8 =	vsel vm5, $0x0, v2;
	(xrf0) =	vadd.scan.msk.s32 $0xffff, v5;
	s0 =	spop (v2sf);
	[smem:s3] =	sst @!p1 s6  }
0x5d: {  	v9 =	vsel vm7, $0x0, v2;
	v10 =	vsel vm8, $0x0, v2;
	v5 =	vsel vm6, $0x0, v2;
	p1 =	sgt.u32 s7, $0x7F;
	(xrf0) =	vadd.scan.msk.s32 $0xffff, v3;
	p2 =	sgt.u32 s0, $0x7F;
	s3 =	spop (v2sf)  }
0x5e: {  	v11 =	vsel vm10, $0x0, v2;
	v12 =	vsel vm11, $0x0, v2;
	v3 =	vsel vm9, $0x0, v2;
	(xrf0) =	vadd.scan.msk.s32 $0xffff, v4;
	[smem:s0] =	sst @!p2 s2;
	p2 =	sgt.u32 s3, $0x7F;
	s0 =	spop (v2sf)  }
0x5f: {  	v13 =	vsel vm13, $0x0, v2;
	v14 =	vsel vm14, $0x0, v2;
	s6 =	sadd.s32 @!p1 $0xFFFFFFF3, s20;
	v4 =	vsel vm12, $0x0, v2;
	(xrf0) =	vadd.scan.msk.s32 $0xffff, v6;
	s2 =	sadd.s32 @!p2 $0xFFFFFFF2, s20;
	s11 =	spop (v2sf)  }
0x60: {  	v2 =	vsel vm15, $0x0, v2;
	(xrf0) =	vadd.scan.msk.s32 $0xffff, v7;
	[smem:s3] =	sst @!p2 s2;
	p2 =	sgt.u32 s11, $0x7F;
	s2 =	spop (v2sf)  }
0x61: {  	(xrf0) =	vadd.scan.msk.s32 $0xffff, v8;
	[smem:s7] =	sst @!p1 s6;
	s3 =	sadd.s32 @!p2 $0xFFFFFFF5, s20;
	s6 =	spop (v2sf)  }
0x62: {  	p1 =	sgt.u32 s0, $0x7F;
	p4 =	sgt.u32 s2, $0x7F;
	v6, _, _ =	vpop (xrf0);
	(xrf0) =	vadd.scan.msk.s32 $0xffff, v5;
	s7 =	spop (v2sf);
	(v2sf) =	vpush v1, $0xF  }
0x63: {  	s12 =	sadd.s32 @!p4 $0xFFFFFFF6, s20;
	p5 =	sgt.u32 s6, $0x7F;
	v1, _, _ =	vpop (xrf0);
	(v2sf) =	vpush v6, $0xF;
	(xrf0) =	vadd.scan.msk.s32 $0xffff, v9;
	s23 =	spop (v2sf)  }
0x64: {  	s8 =	sadd.s32 @!p5 $0xFFFFFFF7, s20;
	p6 =	sgt.u32 s7, $0x7F;
	(v2sf) =	vpush v1, $0xF;
	v1, _, _ =	vpop (xrf0);
	(xrf0) =	vadd.scan.msk.s32 $0xffff, v10;
	s24 =	spop (v2sf)  }
0x65: {  	s26 =	sadd.s32 @!p1 $0xFFFFFFF4, s20;
	s9 =	sadd.s32 @!p6 $0xFFFFFFF8, s20;
	(v2sf) =	vpush v1, $0xF;
	v1, _, _ =	vpop (xrf0);
	(xrf0) =	vadd.scan.msk.s32 $0xffff, v3;
	s25 =	spop (v2sf)  }
0x66: {  	(v2sf) =	vpush v1, $0xF;
	v1, _, _ =	vpop (xrf0);
	(xrf0) =	vadd.scan.msk.s32 $0xffff, v11;
	[smem:s0] =	sst @!p1 s26;
	p1 =	sgt.u32 s23, $0x7F;
	s26 =	spop (v2sf)  }
0x67: {  	[smem:s11] =	sst @!p2 s3  }
.Ltmp3:
0x68: {  	(v2sf) =	vpush v1, $0xF;
	v1, _, _ =	vpop (xrf0);
	(xrf0) =	vadd.scan.msk.s32 $0xffff, v12;
	s31 =	sadd.s32 @!p1 $0xFFFFFFF9, s20;
	s28 =	spop (v2sf);
	(pc) =	sbr.rel @p0 .LBB2_4-.Ltmp3, $4  }
0x69: {  	p3 =	sgt.u32 s24, $0x7F;
	p2 =	sgt.u32 s25, $0x7F;
	(v2sf) =	vpush v1, $0xF;
	v1, _, _ =	vpop (xrf0);
	(xrf0) =	vadd.scan.msk.s32 $0xffff, v4;
	s30 =	spop (v2sf)  }
0x6a: {  	s0 =	sadd.s32 @!p2 $0xFFFFFFFB, s20;
	(v2sf) =	vpush v1, $0xF;
	v1, _, _ =	vpop (xrf0);
	(xrf0) =	vadd.scan.msk.s32 $0xffff, v13;
	[smem:s2] =	sst @!p4 s12;
	s29 =	spop (v2sf)  }
0x6b: {  	p4 =	sgt.u32 s28, $0x7F;
	(v2sf) =	vpush v1, $0xF;
	v1, _, _ =	vpop (xrf0);
	(xrf0) =	vadd.scan.msk.s32 $0xffff, v14;
	[smem:s6] =	sst @!p5 s8;
	p5 =	sgt.u32 s26, $0x7F  }
0x6c: {  	s3 =	sadd.s32 @!p3 $0xFFFFFFFA, s20;
	(v2sf) =	vpush v1, $0xF;
	v1, _, _ =	vpop (xrf0);
	(xrf0) =	vadd.scan.msk.s32 $0xffff, v2;
	[smem:s7] =	sst @!p6 s9;
	s2 =	sadd.s32 @!p5 $0xFFFFFFFC, s20  }
0x6d: {  	v2 =	vld [tilespmem:s22+$0x0];
	_ =	sdelay $0x2  }
0x6e: {  	[smem:s23] =	sst @!p1 s31  }
0x6f: {  	(v2sf) =	vpush v1, $0xF;
	v1, _, _ =	vpop (xrf0);
	[smem:s24] =	sst @!p3 s3  }
0x70: {  	(v2sf) =	vpush v1, $0xF;
	v1, _, _ =	vpop (xrf0);
	[smem:s25] =	sst @!p2 s0;
	v2 =	vsub.s32 v2, v0  }
0x71: {  	p0 =	sgt.u32 s30, $0x7F;
	s0 =	sadd.s32 @!p4 $0xFFFFFFFD, s20;
	(v2sf) =	vpush v1, $0xF;
	v1, _, _ =	vpop (xrf0);
	[smem:s26] =	sst @!p5 s2;
	v3 =	vsel vm2, $0x0, v2  }
0x72: {  	p1 =	sgt.u32 s29, $0x7F;
	(v2sf) =	vpush v1, $0xF;
	v1, _, _ =	vpop (xrf0);
	s2 =	sadd.s32 @!p0 $0xFFFFFFFE, s20;
	[smem:s28] =	sst @!p4 s0  }
0x73: {  	(v2sf) =	vpush v1, $0xF;
	s0 =	sadd.s32 @!p1 $0xFFFFFFFF, s20;
	[smem:s30] =	sst @!p0 s2;
	s2 =	spop (v2sf);
	v1 =	vnsel vm0, $0x0, v2;
	(xrf0) =	vadd.scan.msk.s32 $0xffff, v3  }
0x74: {  	v4 =	vsel vm1, $0x0, v2;
	s3 =	spop (v2sf);
	[smem:s29] =	sst @!p1 s0;
	p0 =	sgt.u32 s2, $0x7F;
	(xrf0) =	vadd.scan.msk.s32 $0xffff, v1;
	v3, _, _ =	vpop (xrf0)  }
0x75: {  	s0 =	sadd.s32 $0xFFFFFFF1, s19;
	s6 =	spop (v2sf);
	[smem:s2] =	sst @!p0 s20;
	v1 =	vsel vm3, $0x0, v2;
	(xrf0) =	vadd.scan.msk.s32 $0xffff, v4;
	(v2sf) =	vpush v3, $0xF;
	v3 =	vsel vm4, $0x0, v2  }
0x76: {  	p1 =	sgt.u32 s3, $0x7F;
	p0 =	sgt.u32 s6, $0x7F;
	s2 =	spop (v2sf);
	(xrf0) =	vadd.scan.msk.s32 $0xffff, v1  }
0x77: {  	[smem:s6] =	sst @!p0 s0;
	p0 =	sgt.u32 s2, $0x7F;
	s0 =	spop (v2sf);
	v1 =	vsel vm5, $0x0, v2;
	(xrf0) =	vadd.scan.msk.s32 $0xffff, v3  }
0x78: {  	s7 =	sadd.s32 @!p1 $0xFFFFFFF3, s19;
	s6 =	sadd.s32 @!p0 $0xFFFFFFF2, s19;
	s8 =	spop (v2sf);
	(xrf0) =	vadd.scan.msk.s32 $0xffff, v1;
	v1 =	vsel vm7, $0x0, v2;
	v3, _, _ =	vpop (xrf0)  }
0x79: {  	v60 =	vsel vm6, $0x0, v2;
	p4 =	sgt.u32 s0, $0x7F;
	[smem:s2] =	sst @!p0 s6;
	p0 =	sgt.u32 s8, $0x7F;
	v5, _, _ =	vpop (xrf0);
	(v2sf) =	vpush v3, $0xF  }
0x7a: {  	s2 =	spop (v2sf);
	s20 =	sadd.s32 @!p4 $0xFFFFFFF4, s19;
	[smem:s3] =	sst @!p1 s7;
	(xrf0) =	vadd.scan.msk.s32 $0xffff, v60;
	v61, _, _ =	vpop (xrf0);
	(v2sf) =	vpush v5, $0xF  }
0x7b: {  	s3 =	sadd.s32 @!p0 $0xFFFFFFF5, s19;
	s6 =	spop (v2sf);
	p1 =	sgt.u32 s2, $0x7F;
	v3 =	vsel vm8, $0x0, v2;
	(xrf0) =	vadd.scan.msk.s32 $0xffff, v1;
	(v2sf) =	vpush v61, $0xF;
	v1, _, _ =	vpop (xrf0)  }
0x7c: {  	s7 =	spop (v2sf);
	s9 =	sadd.s32 @!p1 $0xFFFFFFF6, s19;
	p2 =	sgt.u32 s6, $0x7F;
	(xrf0) =	vadd.scan.msk.s32 $0xffff, v3;
	(v2sf) =	vpush v1, $0xF;
	v1, _, _ =	vpop (xrf0)  }
0x7d: {  	[smem:s0] =	sst @!p4 s20;
	s11 =	spop (v2sf);
	s12 =	sadd.s32 @!p2 $0xFFFFFFF7, s19;
	v3 =	vsel vm9, $0x0, v2;
	(v2sf) =	vpush v1, $0xF;
	v1, _, _ =	vpop (xrf0)  }
0x7e: {  	v62 =	vsel vm10, $0x0, v2;
	p3 =	sgt.u32 s7, $0x7F;
	[smem:s8] =	sst @!p0 s3;
	s21 =	spop (v2sf);
	(xrf0) =	vadd.scan.msk.s32 $0xffff, v3;
	(v2sf) =	vpush v1, $0xF  }
0x7f: {  	s22 =	sadd.s32 @!p3 $0xFFFFFFF8, s19;
	p4 =	sgt.u32 s11, $0x7F;
	[smem:s2] =	sst @!p1 s9;
	v3 =	vsel vm11, $0x0, v2;
	(xrf0) =	vadd.scan.msk.s32 $0xffff, v62;
	v1, _, _ =	vpop (xrf0)  }
0x80: {  	v63 =	vsel vm12, $0x0, v2;
	s0 =	spop (v2sf);
	s8 =	sadd.s32 @!p4 $0xFFFFFFF9, s19;
	p0 =	sgt.u32 s21, $0x7F;
	(xrf0) =	vadd.scan.msk.s32 $0xffff, v3;
	(v2sf) =	vpush v1, $0xF;
	v1, _, _ =	vpop (xrf0)  }
0x81: {  	[smem:s6] =	sst @!p2 s12;
	s3 =	spop (v2sf);
	p1 =	sgt.u32 s0, $0x7F;
	(xrf0) =	vadd.scan.msk.s32 $0xffff, v63;
	(v2sf) =	vpush v1, $0xF;
	v1, _, _ =	vpop (xrf0)  }
0x82: {  	[smem:s7] =	sst @!p3 s22;
	s9 =	sadd.s32 @!p0 $0xFFFFFFFA, s19;
	s2 =	spop (v2sf);
	v3 =	vsel vm13, $0x0, v2;
	(v2sf) =	vpush v1, $0xF;
	v1, _, _ =	vpop (xrf0)  }
0x83: {  	s7 =	sadd.s32 @!p1 $0xFFFFFFFB, s19;
	[smem:s11] =	sst @!p4 s8;
	s6 =	spop (v2sf);
	(xrf0) =	vadd.scan.msk.s32 $0xffff, v3;
	v3 =	vsel vm14, $0x0, v2;
	(v2sf) =	vpush v1, $0xF  }
0x84: {  	p2 =	sgt.u32 s3, $0x7F;
	[smem:s21] =	sst @!p0 s9;
	p0 =	sgt.u32 s2, $0x7F;
	(xrf0) =	vadd.scan.msk.s32 $0xffff, v3;
	v1, _, _ =	vpop (xrf0)  }
0x85: {  	s9 =	sadd.s32 @!p2 $0xFFFFFFFC, s19;
	[smem:s0] =	sst @!p1 s7;
	s8 =	spop (v2sf);
	(v2sf) =	vpush v1, $0xF;
	v1, _, _ =	vpop (xrf0)  }
0x86: {  	s0 =	sadd.s32 @!p0 $0xFFFFFFFD, s19;
	p1 =	sgt.u32 s6, $0x7F;
	v2 =	vsel vm15, $0x0, v2;
	[smem:s3] =	sst @!p2 s9;
	(v2sf) =	vpush v1, $0xF;
	v1, _, _ =	vpop (xrf0)  }
0x87: {  	s3 =	sadd.s32 @!p1 $0xFFFFFFFE, s19;
	[smem:s2] =	sst @!p0 s0;
	p0 =	sgt.u32 s8, $0x7F;
	(v2sf) =	vpush v1, $0xF;
	v1, _, _ =	vpop (xrf0);
	(xrf0) =	vadd.scan.msk.s32 $0xffff, v2  }
0x88: {  	[smem:s6] =	sst @!p1 s3;
	s0 =	sadd.s32 @!p0 $0xFFFFFFFF, s19;
	s2 =	spop (v2sf)  }
0x89: {  	(v2sf) =	vpush v1, $0xF;
	v1, _, _ =	vpop (xrf0);
	[smem:s8] =	sst @!p0 s0;
	s3 =	spop (v2sf);
	p0 =	sgt.u32 s2, $0x7F  }
0x8a: {  	s0 =	sadd.s32 $0xFFFFFFF1, s18;
	(v2sf) =	vpush v1, $0xF;
	v1, _, _ =	vpop (xrf0);
	s6 =	spop (v2sf);
	[smem:s2] =	sst @!p0 s19  }
0x8b: {  	(v2sf) =	vpush v1, $0xF;
	p1 =	sgt.u32 s3, $0x7F;
	p0 =	sgt.u32 s6, $0x7F;
	s2 =	spop (v2sf)  }
0x8c: {  	[smem:s6] =	sst @!p0 s0;
	p0 =	sgt.u32 s2, $0x7F;
	s0 =	spop (v2sf)  }
0x8d: {  	s7 =	sadd.s32 @!p1 $0xFFFFFFF3, s18;
	v1, _, _ =	vpop (xrf0);
	s6 =	sadd.s32 @!p0 $0xFFFFFFF2, s18;
	s8 =	spop (v2sf)  }
0x8e: {  	(v2sf) =	vpush v1, $0xF;
	p4 =	sgt.u32 s0, $0x7F;
	[smem:s2] =	sst @!p0 s6;
	p0 =	sgt.u32 s8, $0x7F  }
0x8f: {  	s2 =	spop (v2sf);
	s19 =	sadd.s32 @!p4 $0xFFFFFFF4, s18;
	[smem:s3] =	sst @!p1 s7  }
0x90: {  	s3 =	sadd.s32 @!p0 $0xFFFFFFF5, s18;
	s6 =	spop (v2sf);
	p1 =	sgt.u32 s2, $0x7F  }
0x91: {  	s7 =	spop (v2sf);
	s9 =	sadd.s32 @!p1 $0xFFFFFFF6, s18;
	p2 =	sgt.u32 s6, $0x7F  }
0x92: {  	[smem:s0] =	sst @!p4 s19;
	s11 =	spop (v2sf);
	p3 =	sgt.u32 s7, $0x7F  }
0x93: {  	s12 =	sadd.s32 @!p2 $0xFFFFFFF7, s18;
	[smem:s8] =	sst @!p0 s3;
	s21 =	sadd.s32 @!p3 $0xFFFFFFF8, s18  }
0x94: {  	p4 =	sgt.u32 s11, $0x7F;
	[smem:s2] =	sst @!p1 s9;
	s20 =	spop (v2sf)  }
0x95: {  	s8 =	sadd.s32 @!p4 $0xFFFFFFF9, s18;
	[smem:s6] =	sst @!p2 s12;
	s0 =	spop (v2sf)  }
0x96: {  	p0 =	sgt.u32 s20, $0x7F;
	[smem:s7] =	sst @!p3 s21;
	s3 =	spop (v2sf)  }
0x97: {  	p1 =	sgt.u32 s0, $0x7F;
	s9 =	sadd.s32 @!p0 $0xFFFFFFFA, s18;
	[smem:s11] =	sst @!p4 s8  }
0x98: {  	s2 =	spop (v2sf);
	s7 =	sadd.s32 @!p1 $0xFFFFFFFB, s18;
	p2 =	sgt.u32 s3, $0x7F  }
0x99: {  	[smem:s20] =	sst @!p0 s9;
	s6 =	spop (v2sf);
	p0 =	sgt.u32 s2, $0x7F  }
0x9a: {  	s9 =	sadd.s32 @!p2 $0xFFFFFFFC, s18;
	[smem:s0] =	sst @!p1 s7;
	s8 =	spop (v2sf)  }
0x9b: {  	s0 =	sadd.s32 @!p0 $0xFFFFFFFD, s18;
	p1 =	sgt.u32 s6, $0x7F;
	[smem:s3] =	sst @!p2 s9  }
0x9c: {  	s3 =	sadd.s32 @!p1 $0xFFFFFFFE, s18;
	[smem:s2] =	sst @!p0 s0;
	p0 =	sgt.u32 s8, $0x7F  }
0x9d: {  	[smem:s6] =	sst @!p1 s3;
	s0 =	sadd.s32 @!p0 $0xFFFFFFFF, s18;
	s2 =	spop (v2sf)  }
0x9e: {  	[smem:s8] =	sst @!p0 s0;
	p0 =	sgt.u32 s2, $0x7F  }
0x9f: {  	[smem:s2] =	sst @!p0 s18  }
0xa0: {  	_ =	swait.ge [sflag:s15], $0x4000  }
0xa1: {  	[sflag:s15] =	ssyncset.done $0x0  }
0xa2: {  	[sflag:s15] =	ssyncadd.s32 $0xFFFFC000  }
0xa3: {  	_ =	swait.ge [sflag:s15], $0x4000  }
0xa4: {  	[sflag:s15] =	ssyncset.done $0x0  }
0xa5: {  	[sflag:s15] =	ssyncadd.s32 $0xFFFFC000  }
0xa6: {  	s2 =	sld [smem:$0x0];
	_ =	sdelay $0x2  }
0xa7: {  	p0 =	slt.s32 s2, $0x0  }
0xa8: {  	s2 =	sshll.u32 @!p0 s2, $0x4  }
0xa9: {  	s0 =	simm.s32 $0x0;
	s3 =	sand.u32 @!p0 $0x1FFFFFF0, s2  }
0xaa: {  	s19 =	simm.s32 @!p0 $0x0;
	s2 =	simm.s32 @!p0 $0x100;
	s6 =	sadd.s32 @!p0 s1, s3  }
0xab: {  	[tilespmem:s2], [sflag:$0x3] =	stream.linear.gather @!p0 [hbm4b:s6+s19], $0x80, $0x38;
	[tilespmem:$0x8100] =	vst v63  }
0xac: {  	s18 =	simm.s32 $0x1;
	s20 =	simm.s32 @!p0 $0x0;
	s2 =	simm.s32 $0x200  }
.LBB2_6:
0xad: {  	s6 =	smov.u32 s0  }
0xae: {  	s0 =	sadd.s32 @!p0 $0x4100, s20;
	s3 =	sadd.s32 @!p0 s5, s3;
	s7 =	sld [smem:s18+$0x0]  }
0xaf: {  	[tilespmem:s0], [sflag:$0x3] =	stream.linear.gather @!p0 [hbm4b:s3+s19], $0x80, $0x38;
	[tilespmem:$0x8100] =	vst v63  }
0xb0: {  	s3 =	smov.u32 s2;
	s2 =	sadd.s32 $0x200, s2  }
0xb1: {  	s0 =	sadd.s32 @!p0 $0x2, s6;
	p1 =	seq.s32 s2, $0x10000  }
.Ltmp4:
0xb2: {  	s0 =	smov.u32 @p0 s6;
	p0 =	slt.s32 s7, $0x0;
	(pc) =	sbr.rel @!p1 .LBB2_6-.Ltmp4, $4  }
0xb3: {  	s6 =	sshll.u32 @!p0 s7, $0x4  }
0xb4: {  	s18 =	sadd.s32 $0x1, s18;
	s20 =	sshra.s32 @!p0 s3, $0x2;
	s3 =	sand.u32 @!p0 $0x1FFFFFF0, s6  }
0xb5: {  	s19 =	simm.s32 @!p0 $0x0;
	s6 =	sadd.s32 @!p0 $0x100, s20;
	s7 =	sadd.s32 @!p0 s1, s3  }
0xb6: {  	[tilespmem:s6], [sflag:$0x3] =	stream.linear.gather @!p0 [hbm4b:s7+s19], $0x80, $0x38;
	[tilespmem:$0x8100] =	vst v63  }
0xb7: {  	s2 =	sadd.s32 @!p0 $0x4100, s20;
	s3 =	sadd.s32 @!p0 s5, s3  }
0xb8: {  	[tilespmem:s2], [sflag:$0x3] =	stream.linear.gather @!p0 [hbm4b:s3+s19], $0x80, $0x38;
	[tilespmem:$0x8100] =	vst v63  }
0xb9: {  	s2 =	sadd.s32 @!p0 $0x2, s0  }
0xba: {  	s2 =	smov.u32 @p0 s0  }
0xbb: {  	p0 =	sgt.s32 s2, $0x0  }
.Ltmp5:
0xbc: {  	_ = 	snop;
	(pc) =	sbr.rel @!p0 .LBB2_11-.Ltmp5, $2  }
0xbd: {  	_ =	sdelay $0x2  }
0xbe: {  	s3 =	simm.s32 $0x4100  }
0xbf: {  	p0 =	sne.s32 s2, $0x1  }
.Ltmp6:
0xc0: {  	_ = 	snop;
	(pc) =	sbr.rel @!p0 .LBB2_10-.Ltmp6, $3  }
0xc1: {  	_ =	sdelay $0x1  }
0xc2: {  	_ =	swait.ge [sflag:s16], $0x80  }
0xc3: {  	s0 =	sadd.s32 $0xFFFFFFFF, s2;
	[sflag:s16] =	ssyncset.done $0x0  }
.LBB2_9:
0xc4: {  	p0 =	sne.s32 s0, $0x1;
	s0 =	sadd.s32 $0xFFFFFFFF, s0;
	[sflag:s16] =	ssyncadd.s32 $0xFFFFFF80  }
.Ltmp7:
0xc5: {  	(pc) =	sbr.rel @p0 .LBB2_9-.Ltmp7, $3  }
0xc6: {  	_ =	sdelay $0x1  }
0xc7: {  	_ =	swait.ge [sflag:s16], $0x80  }
0xc8: {  	[sflag:s16] =	ssyncset.done $0x0  }
.Ltmp8:
0xc9: {  	_ = 	snop;
	(pc) =	sbr.rel .LBB2_10-.Ltmp8, $1  }
0xca: {  	_ =	sdelay $0x3  }
.LBB2_12:
0xcb: {  	_ =	sfence.sel $0x180000  }
0xcc: {  	[bflag:$0x0] =	sbarrier.arrive $0xFFFF  }
0xcd: {  	_ =	strace $0x90000047  }
0xce: {  	s0 =	stileid.u32;
	[bflag:$0x2] =	sbarrier.arrive $0xFFFF  }
0xcf: {  	p0 =	sne.s32 s0, $0x0;
	s0 =	rddreg [dreg:$0x5]  }
0xd0: {  	s0 =	sadd.s32 @!p0 $0x100000, s0  }
0xd1: {  	[sflag:s0] =	ssyncadd.tile.s32 @!p0 $0x1;
	_ =	shalt  }
.Lfunc_end2:
_tile_overlayer_lowered:
.L_overlay_start_2:
0xd2: {  	(tag) =	ssettag $0x2  }
0xd3: {  	s0 =	rddreg [dreg:$0x0];
	s2 =	stileid.u32  }
0xd4: {  	s1 =	rddreg [dreg:$0x1];
	p0 =	sne.s32 s2, $0x0  }
0xd5: {  	s3 =	rddreg [dreg:$0x2];
	[bflag:$0x3] =	sbarrier.arrive $0xFFFF;
	s2 =	simm.s32 @!p0 $0x1C04  }
0xd6: {  	[timem:s3], [sflag:s2] =	dma.local @!p0 [hbm:s0], s1  }
0xd7: {  	s0 =	simm.s32 @!p0 $0x4  }
0xd8: {  	_ =	swait.ge @!p0 [sflag:s0], s1  }
0xd9: {  	s1 =	ssub.s32 @!p0 $0x0, s1;
	[sflag:s0] =	ssyncset.done @!p0 $0x0  }
0xda: {  	[sflag:s0] =	ssyncadd.s32 @!p0 s1  }
0xdb: {  	[bflag:$0x3] =	sbarrier.arrive $0xFFFF  }
0xdc: {  	_ =	shalt  }

</sc_bundles>
